<compile_context>
chip_gen: v7x
topology: tpu7x:2x2x1
jax: 0.10.2.dev20260603
libtpu: 0.0.44.dev20260713+nightly
codegen_flags: <defaults>
</compile_context>

<pallas_src>
import functools

import jax
import jax.numpy as jnp
from jax import lax
from jax.experimental import pallas as pl
from jax.experimental.pallas import tpu as pltpu
from jax.experimental.pallas import tpu_sc as plsc

B = 16384
D_CODE = 128
D_NAME = 128
D_NAT = 32
NAT_BINS = 32
EMB = 256
EPS = 1e-5

_NC = 2
_NS = 16
_NW = _NC * _NS
_NCHUNK = 4
_BH = B // _NCHUNK
_BPW = _BH // _NW
_CHUNK = _BPW // 2


def _sc_body(code_ids, name_ids, code_emb, name_emb,
             cv_out, nv_out, cidx_v, nidx_v, buf0, buf1, buf2,
             sg0, sg1, sg2, sw0, sw1, sw2, si0, si1):
        wid = lax.axis_index("s") * _NC + lax.axis_index("c")
        base = wid * _BPW
        i0 = pltpu.async_copy(code_ids.at[pl.ds(base, _BPW)], cidx_v, si0)
        i1 = pltpu.async_copy(name_ids.at[pl.ds(base, _BPW)], nidx_v, si1)
        i0.wait()
        g0 = pltpu.async_copy(code_emb.at[cidx_v], buf0, sg0)
        i1.wait()
        g1 = pltpu.async_copy(name_emb.at[nidx_v.at[pl.ds(0, _CHUNK)]], buf1, sg1)
        g2 = pltpu.async_copy(name_emb.at[nidx_v.at[pl.ds(_CHUNK, _CHUNK)]], buf2, sg2)
        g0.wait()
        w0 = pltpu.async_copy(buf0, cv_out.at[pl.ds(base, _BPW)], sw0)
        g1.wait()
        w1 = pltpu.async_copy(buf1, nv_out.at[pl.ds(base, _CHUNK)], sw1)
        g2.wait()
        w2 = pltpu.async_copy(buf2, nv_out.at[pl.ds(base + _CHUNK, _CHUNK)], sw2)
        w0.wait()
        w1.wait()
        w2.wait()


@functools.cache
def _sc_gather():
    return pl.kernel(
        _sc_body,
        mesh=plsc.VectorSubcoreMesh(core_axis_name="c", subcore_axis_name="s"),
        out_type=[
            jax.ShapeDtypeStruct((_BH, D_CODE), jnp.float32),
            jax.ShapeDtypeStruct((_BH, D_NAME), jnp.float32),
        ],
        scratch_types=[
            pltpu.VMEM((_BPW,), jnp.int32),
            pltpu.VMEM((_BPW,), jnp.int32),
            pltpu.VMEM((_BPW, D_CODE), jnp.float32),
            pltpu.VMEM((_CHUNK, D_NAME), jnp.float32),
            pltpu.VMEM((_CHUNK, D_NAME), jnp.float32),
            pltpu.SemaphoreType.DMA,
            pltpu.SemaphoreType.DMA,
            pltpu.SemaphoreType.DMA,
            pltpu.SemaphoreType.DMA,
            pltpu.SemaphoreType.DMA,
            pltpu.SemaphoreType.DMA,
            pltpu.SemaphoreType.DMA,
            pltpu.SemaphoreType.DMA,
        ],
    )


_BM = 4096


def _tc_body_first(cv_ref, nv_ref, nid_ref, nat_ref, w1_ref, w2_ref,
                   w3_ref, b_ref, g_ref, beta_ref, o_ref):
    _tc_compute(cv_ref, nv_ref, nid_ref, nat_ref, w1_ref, w2_ref, w3_ref,
                b_ref, g_ref, beta_ref, o_ref)


def _tc_body_second(_prev_ref, cv_ref, nv_ref, nid_ref, nat_ref, w1_ref,
                    w2_ref, w3_ref, b_ref, g_ref, beta_ref, o_ref):
    _tc_compute(cv_ref, nv_ref, nid_ref, nat_ref, w1_ref, w2_ref, w3_ref,
                b_ref, g_ref, beta_ref, o_ref)


def _tc_compute(cv_ref, nv_ref, nid_ref, nat_ref, w1_ref, w2_ref, w3_ref,
                b_ref, g_ref, beta_ref, o_ref):
    natp = jnp.dot(nat_ref[...], w3_ref[...],
                   preferred_element_type=jnp.float32)
    nids = nid_ref[0, 0, :]
    onehot = (nids[:, None]
              == lax.broadcasted_iota(jnp.int32, (1, NAT_BINS), 1)
              ).astype(jnp.float32)
    x = (jnp.dot(cv_ref[...], w1_ref[...], preferred_element_type=jnp.float32)
         + jnp.dot(nv_ref[...], w2_ref[...], preferred_element_type=jnp.float32)
         + jnp.dot(onehot, natp, preferred_element_type=jnp.float32)
         + b_ref[...])
    mean = jnp.mean(x, axis=-1, keepdims=True)
    xc = x - mean
    var = jnp.mean(xc * xc, axis=-1, keepdims=True)
    o_ref[...] = xc * lax.rsqrt(var + EPS) * g_ref[...] + beta_ref[...]


def _half_specs(blk_off):
    return [
        pl.BlockSpec((_BM, D_CODE), lambda i: (i, 0)),
        pl.BlockSpec((_BM, D_NAME), lambda i: (i, 0)),
        pl.BlockSpec((1, 1, _BM), lambda i: (i + blk_off, 0, 0)),
        pl.BlockSpec((NAT_BINS, D_NAT), lambda i: (0, 0)),
        pl.BlockSpec((D_CODE, EMB), lambda i: (0, 0)),
        pl.BlockSpec((D_NAME, EMB), lambda i: (1, 0)),
        pl.BlockSpec((D_NAT, EMB), lambda i: (8, 0)),
        pl.BlockSpec((1, EMB), lambda i: (0, 0)),
        pl.BlockSpec((1, EMB), lambda i: (0, 0)),
        pl.BlockSpec((1, EMB), lambda i: (0, 0)),
    ]


def _tc_first(cv, nv, nid3, nat, W, b2, g2, beta2):
    return pl.pallas_call(
        _tc_body_first,
        grid=(_BH // _BM,),
        in_specs=_half_specs(0),
        out_specs=pl.BlockSpec((_BM, EMB), lambda i: (i, 0)),
        out_shape=jax.ShapeDtypeStruct((B, EMB), jnp.float32),
    )(cv, nv, nid3, nat, W, W, W, b2, g2, beta2)


def _tc_next(off, prev, cv, nv, nid3, nat, W, b2, g2, beta2):
    return pl.pallas_call(
        _tc_body_second,
        grid=(_BH // _BM,),
        in_specs=[pl.BlockSpec((8, EMB), lambda i: (0, 0))] + _half_specs(off),
        out_specs=pl.BlockSpec((_BM, EMB), lambda i, off=off: (i + off, 0)),
        out_shape=jax.ShapeDtypeStruct((B, EMB), jnp.float32),
        input_output_aliases={0: 0},
    )(prev, cv, nv, nid3, nat, W, W, W, b2, g2, beta2)


def kernel(code_ids, name_ids, nature_ids, code_emb, name_emb, nature_emb,
           W, b, gamma, beta):
    b2 = b.reshape(1, EMB)
    g2 = gamma.reshape(1, EMB)
    beta2 = beta.reshape(1, EMB)
    nid3 = nature_ids.reshape(B // _BM, 1, _BM)

    sc = _sc_gather()
    gathered = [
        sc(code_ids[c * _BH:(c + 1) * _BH], name_ids[c * _BH:(c + 1) * _BH],
           code_emb, name_emb)
        for c in range(_NCHUNK)
    ]
    o = _tc_first(gathered[0][0], gathered[0][1], nid3, nature_emb, W,
                  b2, g2, beta2)
    for c in range(1, _NCHUNK):
        o = _tc_next(c * (_BH // _BM), o, gathered[c][0], gathered[c][1],
                     nid3, nature_emb, W, b2, g2, beta2)
    return o

# --- scband reference (transcript-rebuilt; emitter-appended) ---
"""Pipeline reference for scband-catalog-encoder-1563368096205 (READ-ONLY COPY).

The authoritative reference and input builder live on the scoring server;
editing this copy changes nothing except your own understanding.
"""

import jax, jax.numpy as jnp
import numpy as np

B = 16384
CODE_BINS = 4096
NAME_BINS = 16384
NAT_BINS = 32
PROJ = 128          # max(64, 256 // 2)
NATD = 32           # max(16, 256 // 8)
EMB = 256
CAT = PROJ * 2 + NATD  # 288
EPS = 1e-5


def setup_inputs(seed: int = 0) -> dict:
    key = jax.random.key(seed)
    ks = jax.random.split(key, 10)
    code_ids = jax.random.randint(ks[0], (B,), 0, CODE_BINS, dtype=jnp.int64 if jax.config.jax_enable_x64 else jnp.int32).astype(jnp.int32)
    name_ids = jax.random.randint(ks[1], (B,), 0, NAME_BINS).astype(jnp.int32)
    nature_ids = jax.random.randint(ks[2], (B,), 0, NAT_BINS).astype(jnp.int32)
    code_emb = jax.random.normal(ks[3], (CODE_BINS, PROJ), dtype=jnp.float32)
    name_emb = jax.random.normal(ks[4], (NAME_BINS, PROJ), dtype=jnp.float32)
    nature_emb = jax.random.normal(ks[5], (NAT_BINS, NATD), dtype=jnp.float32)
    W = jax.random.normal(ks[6], (CAT, EMB), dtype=jnp.float32) * (1.0 / np.sqrt(CAT))
    b = jnp.zeros((EMB,), dtype=jnp.float32)
    gamma = jnp.ones((EMB,), dtype=jnp.float32)
    beta = jnp.zeros((EMB,), dtype=jnp.float32)
    return {
        "code_ids": code_ids,
        "name_ids": name_ids,
        "nature_ids": nature_ids,
        "code_emb": code_emb,
        "name_emb": name_emb,
        "nature_emb": nature_emb,
        "W": W,
        "b": b,
        "gamma": gamma,
        "beta": beta,
    }


def reference(code_ids, name_ids, nature_ids, code_emb, name_emb, nature_emb, W, b, gamma, beta):
    code_vec = jnp.take(code_emb, code_ids, axis=0)
    name_vec = jnp.take(name_emb, name_ids, axis=0)
    nature_vec = jnp.take(nature_emb, nature_ids, axis=0)
    x = jnp.concatenate([code_vec, name_vec, nature_vec], axis=-1)
    x = x @ W + b
    mean = jnp.mean(x, axis=-1, keepdims=True)
    var = jnp.mean((x - mean) ** 2, axis=-1, keepdims=True)
    x = (x - mean) / jnp.sqrt(var + EPS)
    x = x * gamma + beta
    return x

if __name__ == "__main__":
    import jax
    _d = setup_inputs()
    print(jax.jit(kernel)(*tuple(_d.values())))

</pallas_src>

<mosaic_0001>
#map = affine_map<(d0, d1) -> (0)>
#map1 = affine_map<(d0, d1) -> (0, 0)>
module attributes {stable_mosaic.version = 14 : i64} {
  func.func @_sc_body(%arg0: i32, %arg1: i32, %arg2: memref<4096xi32, #tpu.memory_space<hbm>>, %arg3: memref<4096xi32, #tpu.memory_space<hbm>>, %arg4: memref<4096x128xf32, #tpu.memory_space<hbm>>, %arg5: memref<16384x128xf32, #tpu.memory_space<hbm>>, %arg6: memref<4096x128xf32, #tpu.memory_space<hbm>>, %arg7: memref<4096x128xf32, #tpu.memory_space<hbm>>, %arg8: memref<128xi32, #tpu.memory_space<vmem>>, %arg9: memref<128xi32, #tpu.memory_space<vmem>>, %arg10: memref<128x128xf32, #tpu.memory_space<vmem>>, %arg11: memref<64x128xf32, #tpu.memory_space<vmem>>, %arg12: memref<64x128xf32, #tpu.memory_space<vmem>>, %arg13: memref<!tpu.dma_semaphore, #tpu.memory_space<semaphore_mem>>, %arg14: memref<!tpu.dma_semaphore, #tpu.memory_space<semaphore_mem>>, %arg15: memref<!tpu.dma_semaphore, #tpu.memory_space<semaphore_mem>>, %arg16: memref<!tpu.dma_semaphore, #tpu.memory_space<semaphore_mem>>, %arg17: memref<!tpu.dma_semaphore, #tpu.memory_space<semaphore_mem>>, %arg18: memref<!tpu.dma_semaphore, #tpu.memory_space<semaphore_mem>>, %arg19: memref<!tpu.dma_semaphore, #tpu.memory_space<semaphore_mem>>, %arg20: memref<!tpu.dma_semaphore, #tpu.memory_space<semaphore_mem>>) attributes {dimension_semantics = [#tpu.dimension_semantics<core_parallel>, #tpu.dimension_semantics<subcore_parallel>], iteration_bounds = array<i64: 2, 16>, scalar_prefetch = 0 : i64, scratch_operands = 13 : i64, tpu.core_type = #tpu.core_type<sc_vector_subcore>, window_params = [{transform_indices = #map}, {transform_indices = #map}, {transform_indices = #map1}, {transform_indices = #map1}, {transform_indices = #map1}, {transform_indices = #map1}]} {
    %mul3A = arith.constant 2 : i32
    %mul3A_0 = arith.muli %arg1, %mul3A : i32
    %add3A = arith.addi %mul3A_0, %arg0 : i32
    %mul3A_1 = arith.constant 128 : i32
    %mul3A_2 = arith.muli %add3A, %mul3A_1 : i32
    %dma_start3A = tpu.memref_slice %arg2[%mul3A_2] : memref<4096xi32, #tpu.memory_space<hbm>> -> memref<128xi32, #tpu.memory_space<hbm>>
    %dma_start3A_3 = tpu.memref_slice %arg2[%mul3A_2] : memref<4096xi32, #tpu.memory_space<hbm>> -> memref<128xi32, #tpu.memory_space<hbm>>
    tpu.enqueue_dma source(%dma_start3A_3 : memref<128xi32, #tpu.memory_space<hbm>>) target(%arg8 : memref<128xi32, #tpu.memory_space<vmem>>) target_semaphore(%arg19 : memref<!tpu.dma_semaphore, #tpu.memory_space<semaphore_mem>>)
    %dma_start3A_4 = tpu.memref_slice %arg3[%mul3A_2] : memref<4096xi32, #tpu.memory_space<hbm>> -> memref<128xi32, #tpu.memory_space<hbm>>
    %dma_start3A_5 = tpu.memref_slice %arg3[%mul3A_2] : memref<4096xi32, #tpu.memory_space<hbm>> -> memref<128xi32, #tpu.memory_space<hbm>>
    tpu.enqueue_dma source(%dma_start3A_5 : memref<128xi32, #tpu.memory_space<hbm>>) target(%arg9 : memref<128xi32, #tpu.memory_space<vmem>>) target_semaphore(%arg20 : memref<!tpu.dma_semaphore, #tpu.memory_space<semaphore_mem>>)
    %dma_wait3A = tpu.memref_slice %arg2[%mul3A_2] : memref<4096xi32, #tpu.memory_space<hbm>> -> memref<128xi32, #tpu.memory_space<hbm>>
    %dma_wait3A_6 = tpu.memref_slice %arg2[%mul3A_2] : memref<4096xi32, #tpu.memory_space<hbm>> -> memref<128xi32, #tpu.memory_space<hbm>>
    tpu.wait_dma2 semaphore(%arg19 : memref<!tpu.dma_semaphore, #tpu.memory_space<semaphore_mem>>) src(%dma_wait3A_6 : memref<128xi32, #tpu.memory_space<hbm>>) dst(%arg8 : memref<128xi32, #tpu.memory_space<vmem>>)
    %dma_start3A_7 = arith.constant 0 : i32
    %dma_start3A_8 = arith.constant 0 : i32
    %dma_start3A_9 = tpu.memref_slice %arg4[%dma_start3A_7, %dma_start3A_8] : memref<4096x128xf32, #tpu.memory_space<hbm>> -> memref<4096x128xf32, #tpu.memory_space<hbm>>
    tpu.enqueue_indirect_dma source(%dma_start3A_9 : memref<4096x128xf32, #tpu.memory_space<hbm>>) target(%arg10 : memref<128x128xf32, #tpu.memory_space<vmem>>) offsets(%arg8 : memref<128xi32, #tpu.memory_space<vmem>>) semaphore(%arg13 : memref<!tpu.dma_semaphore, #tpu.memory_space<semaphore_mem>>)
    %dma_wait3A_10 = tpu.memref_slice %arg3[%mul3A_2] : memref<4096xi32, #tpu.memory_space<hbm>> -> memref<128xi32, #tpu.memory_space<hbm>>
    %dma_wait3A_11 = tpu.memref_slice %arg3[%mul3A_2] : memref<4096xi32, #tpu.memory_space<hbm>> -> memref<128xi32, #tpu.memory_space<hbm>>
    tpu.wait_dma2 semaphore(%arg20 : memref<!tpu.dma_semaphore, #tpu.memory_space<semaphore_mem>>) src(%dma_wait3A_11 : memref<128xi32, #tpu.memory_space<hbm>>) dst(%arg9 : memref<128xi32, #tpu.memory_space<vmem>>)
    %dma_start3A_12 = arith.constant 0 : i32
    %dma_start3A_13 = tpu.memref_slice %arg9[%dma_start3A_12] : memref<128xi32, #tpu.memory_space<vmem>> -> memref<64xi32, #tpu.memory_space<vmem>>
    %dma_start3A_14 = arith.constant 0 : i32
    %dma_start3A_15 = arith.constant 0 : i32
    %dma_start3A_16 = tpu.memref_slice %arg5[%dma_start3A_14, %dma_start3A_15] : memref<16384x128xf32, #tpu.memory_space<hbm>> -> memref<16384x128xf32, #tpu.memory_space<hbm>>
    tpu.enqueue_indirect_dma source(%dma_start3A_16 : memref<16384x128xf32, #tpu.memory_space<hbm>>) target(%arg11 : memref<64x128xf32, #tpu.memory_space<vmem>>) offsets(%dma_start3A_13 : memref<64xi32, #tpu.memory_space<vmem>>) semaphore(%arg14 : memref<!tpu.dma_semaphore, #tpu.memory_space<semaphore_mem>>)
    %dma_start3A_17 = arith.constant 64 : i32
    %dma_start3A_18 = tpu.memref_slice %arg9[%dma_start3A_17] : memref<128xi32, #tpu.memory_space<vmem>> -> memref<64xi32, #tpu.memory_space<vmem>>
    %dma_start3A_19 = arith.constant 0 : i32
    %dma_start3A_20 = arith.constant 0 : i32
    %dma_start3A_21 = tpu.memref_slice %arg5[%dma_start3A_19, %dma_start3A_20] : memref<16384x128xf32, #tpu.memory_space<hbm>> -> memref<16384x128xf32, #tpu.memory_space<hbm>>
    tpu.enqueue_indirect_dma source(%dma_start3A_21 : memref<16384x128xf32, #tpu.memory_space<hbm>>) target(%arg12 : memref<64x128xf32, #tpu.memory_space<vmem>>) offsets(%dma_start3A_18 : memref<64xi32, #tpu.memory_space<vmem>>) semaphore(%arg15 : memref<!tpu.dma_semaphore, #tpu.memory_space<semaphore_mem>>)
    %dma_wait3A_22 = arith.constant 0 : i32
    %dma_wait3A_23 = arith.constant 0 : i32
    %dma_wait3A_24 = tpu.memref_slice %arg4[%dma_wait3A_22, %dma_wait3A_23] : memref<4096x128xf32, #tpu.memory_space<hbm>> -> memref<4096x128xf32, #tpu.memory_space<hbm>>
    tpu.wait_indirect_dma semaphore(%arg13 : memref<!tpu.dma_semaphore, #tpu.memory_space<semaphore_mem>>) src(%dma_wait3A_24 : memref<4096x128xf32, #tpu.memory_space<hbm>>) dst(%arg10 : memref<128x128xf32, #tpu.memory_space<vmem>>)
    %dma_start3A_25 = arith.constant 0 : i32
    %dma_start3A_26 = tpu.memref_slice %arg6[%mul3A_2, %dma_start3A_25] : memref<4096x128xf32, #tpu.memory_space<hbm>> -> memref<128x128xf32, #tpu.memory_space<hbm>>
    %dma_start3A_27 = arith.constant 0 : i32
    %dma_start3A_28 = tpu.memref_slice %arg6[%mul3A_2, %dma_start3A_27] : memref<4096x128xf32, #tpu.memory_space<hbm>> -> memref<128x128xf32, #tpu.memory_space<hbm>>
    tpu.enqueue_dma source(%arg10 : memref<128x128xf32, #tpu.memory_space<vmem>>) target(%dma_start3A_28 : memref<128x128xf32, #tpu.memory_space<hbm>>) target_semaphore(%arg16 : memref<!tpu.dma_semaphore, #tpu.memory_space<semaphore_mem>>)
    %dma_wait3A_29 = arith.constant 0 : i32
    %dma_wait3A_30 = tpu.memref_slice %arg9[%dma_wait3A_29] : memref<128xi32, #tpu.memory_space<vmem>> -> memref<64xi32, #tpu.memory_space<vmem>>
    %dma_wait3A_31 = arith.constant 0 : i32
    %dma_wait3A_32 = arith.constant 0 : i32
    %dma_wait3A_33 = tpu.memref_slice %arg5[%dma_wait3A_31, %dma_wait3A_32] : memref<16384x128xf32, #tpu.memory_space<hbm>> -> memref<16384x128xf32, #tpu.memory_space<hbm>>
    tpu.wait_indirect_dma semaphore(%arg14 : memref<!tpu.dma_semaphore, #tpu.memory_space<semaphore_mem>>) src(%dma_wait3A_33 : memref<16384x128xf32, #tpu.memory_space<hbm>>) dst(%arg11 : memref<64x128xf32, #tpu.memory_space<vmem>>)
    %dma_start3A_34 = arith.constant 0 : i32
    %dma_start3A_35 = tpu.memref_slice %arg7[%mul3A_2, %dma_start3A_34] : memref<4096x128xf32, #tpu.memory_space<hbm>> -> memref<64x128xf32, #tpu.memory_space<hbm>>
    %dma_start3A_36 = arith.constant 0 : i32
    %dma_start3A_37 = tpu.memref_slice %arg7[%mul3A_2, %dma_start3A_36] : memref<4096x128xf32, #tpu.memory_space<hbm>> -> memref<64x128xf32, #tpu.memory_space<hbm>>
    tpu.enqueue_dma source(%arg11 : memref<64x128xf32, #tpu.memory_space<vmem>>) target(%dma_start3A_37 : memref<64x128xf32, #tpu.memory_space<hbm>>) target_semaphore(%arg17 : memref<!tpu.dma_semaphore, #tpu.memory_space<semaphore_mem>>)
    %dma_wait3A_38 = arith.constant 64 : i32
    %dma_wait3A_39 = tpu.memref_slice %arg9[%dma_wait3A_38] : memref<128xi32, #tpu.memory_space<vmem>> -> memref<64xi32, #tpu.memory_space<vmem>>
    %dma_wait3A_40 = arith.constant 0 : i32
    %dma_wait3A_41 = arith.constant 0 : i32
    %dma_wait3A_42 = tpu.memref_slice %arg5[%dma_wait3A_40, %dma_wait3A_41] : memref<16384x128xf32, #tpu.memory_space<hbm>> -> memref<16384x128xf32, #tpu.memory_space<hbm>>
    tpu.wait_indirect_dma semaphore(%arg15 : memref<!tpu.dma_semaphore, #tpu.memory_space<semaphore_mem>>) src(%dma_wait3A_42 : memref<16384x128xf32, #tpu.memory_space<hbm>>) dst(%arg12 : memref<64x128xf32, #tpu.memory_space<vmem>>)
    %add3A_43 = arith.constant 64 : i32
    %add3A_44 = arith.addi %mul3A_2, %add3A_43 : i32
    %dma_start3A_45 = arith.constant 0 : i32
    %dma_start3A_46 = tpu.memref_slice %arg7[%add3A_44, %dma_start3A_45] : memref<4096x128xf32, #tpu.memory_space<hbm>> -> memref<64x128xf32, #tpu.memory_space<hbm>>
    %dma_start3A_47 = arith.constant 0 : i32
    %dma_start3A_48 = tpu.memref_slice %arg7[%add3A_44, %dma_start3A_47] : memref<4096x128xf32, #tpu.memory_space<hbm>> -> memref<64x128xf32, #tpu.memory_space<hbm>>
    tpu.enqueue_dma source(%arg12 : memref<64x128xf32, #tpu.memory_space<vmem>>) target(%dma_start3A_48 : memref<64x128xf32, #tpu.memory_space<hbm>>) target_semaphore(%arg18 : memref<!tpu.dma_semaphore, #tpu.memory_space<semaphore_mem>>)
    %dma_wait3A_49 = arith.constant 0 : i32
    %dma_wait3A_50 = tpu.memref_slice %arg6[%mul3A_2, %dma_wait3A_49] : memref<4096x128xf32, #tpu.memory_space<hbm>> -> memref<128x128xf32, #tpu.memory_space<hbm>>
    %dma_wait3A_51 = arith.constant 0 : i32
    %dma_wait3A_52 = tpu.memref_slice %arg6[%mul3A_2, %dma_wait3A_51] : memref<4096x128xf32, #tpu.memory_space<hbm>> -> memref<128x128xf32, #tpu.memory_space<hbm>>
    tpu.wait_dma2 semaphore(%arg16 : memref<!tpu.dma_semaphore, #tpu.memory_space<semaphore_mem>>) src(%arg10 : memref<128x128xf32, #tpu.memory_space<vmem>>) dst(%dma_wait3A_52 : memref<128x128xf32, #tpu.memory_space<hbm>>)
    %dma_wait3A_53 = arith.constant 0 : i32
    %dma_wait3A_54 = tpu.memref_slice %arg7[%mul3A_2, %dma_wait3A_53] : memref<4096x128xf32, #tpu.memory_space<hbm>> -> memref<64x128xf32, #tpu.memory_space<hbm>>
    %dma_wait3A_55 = arith.constant 0 : i32
    %dma_wait3A_56 = tpu.memref_slice %arg7[%mul3A_2, %dma_wait3A_55] : memref<4096x128xf32, #tpu.memory_space<hbm>> -> memref<64x128xf32, #tpu.memory_space<hbm>>
    tpu.wait_dma2 semaphore(%arg17 : memref<!tpu.dma_semaphore, #tpu.memory_space<semaphore_mem>>) src(%arg11 : memref<64x128xf32, #tpu.memory_space<vmem>>) dst(%dma_wait3A_56 : memref<64x128xf32, #tpu.memory_space<hbm>>)
    %dma_wait3A_57 = arith.constant 0 : i32
    %dma_wait3A_58 = tpu.memref_slice %arg7[%add3A_44, %dma_wait3A_57] : memref<4096x128xf32, #tpu.memory_space<hbm>> -> memref<64x128xf32, #tpu.memory_space<hbm>>
    %dma_wait3A_59 = arith.constant 0 : i32
    %dma_wait3A_60 = tpu.memref_slice %arg7[%add3A_44, %dma_wait3A_59] : memref<4096x128xf32, #tpu.memory_space<hbm>> -> memref<64x128xf32, #tpu.memory_space<hbm>>
    tpu.wait_dma2 semaphore(%arg18 : memref<!tpu.dma_semaphore, #tpu.memory_space<semaphore_mem>>) src(%arg12 : memref<64x128xf32, #tpu.memory_space<vmem>>) dst(%dma_wait3A_60 : memref<64x128xf32, #tpu.memory_space<hbm>>)
    return
  }
}

#map = affine_map<(d0, d1) -> (0)>
#map1 = affine_map<(d0, d1) -> (0, 0)>
module attributes {stable_mosaic.version = 14 : i64} {
  func.func @_sc_body(%arg0: i32, %arg1: i32, %arg2: memref<4096xi32, #tpu.memory_space<hbm>>, %arg3: memref<4096xi32, #tpu.memory_space<hbm>>, %arg4: memref<4096x128xf32, #tpu.memory_space<hbm>>, %arg5: memref<16384x128xf32, #tpu.memory_space<hbm>>, %arg6: memref<4096x128xf32, #tpu.memory_space<hbm>>, %arg7: memref<4096x128xf32, #tpu.memory_space<hbm>>, %arg8: memref<128xi32, #tpu.memory_space<vmem>>, %arg9: memref<128xi32, #tpu.memory_space<vmem>>, %arg10: memref<128x128xf32, #tpu.memory_space<vmem>>, %arg11: memref<64x128xf32, #tpu.memory_space<vmem>>, %arg12: memref<64x128xf32, #tpu.memory_space<vmem>>, %arg13: memref<!tpu.dma_semaphore, #tpu.memory_space<semaphore_mem>>, %arg14: memref<!tpu.dma_semaphore, #tpu.memory_space<semaphore_mem>>, %arg15: memref<!tpu.dma_semaphore, #tpu.memory_space<semaphore_mem>>, %arg16: memref<!tpu.dma_semaphore, #tpu.memory_space<semaphore_mem>>, %arg17: memref<!tpu.dma_semaphore, #tpu.memory_space<semaphore_mem>>, %arg18: memref<!tpu.dma_semaphore, #tpu.memory_space<semaphore_mem>>, %arg19: memref<!tpu.dma_semaphore, #tpu.memory_space<semaphore_mem>>, %arg20: memref<!tpu.dma_semaphore, #tpu.memory_space<semaphore_mem>>) attributes {dimension_semantics = [#tpu.dimension_semantics<core_parallel>, #tpu.dimension_semantics<subcore_parallel>], iteration_bounds = array<i64: 2, 16>, scalar_prefetch = 0 : i64, scratch_operands = 13 : i64, tpu.core_type = #tpu.core_type<sc_vector_subcore>, window_params = [{transform_indices = #map}, {transform_indices = #map}, {transform_indices = #map1}, {transform_indices = #map1}, {transform_indices = #map1}, {transform_indices = #map1}]} {
    %mul3A = arith.constant 2 : i32
    %mul3A_0 = arith.muli %arg1, %mul3A : i32
    %add3A = arith.addi %mul3A_0, %arg0 : i32
    %mul3A_1 = arith.constant 128 : i32
    %mul3A_2 = arith.muli %add3A, %mul3A_1 : i32
    %dma_start3A = tpu.memref_slice %arg2[%mul3A_2] : memref<4096xi32, #tpu.memory_space<hbm>> -> memref<128xi32, #tpu.memory_space<hbm>>
    %dma_start3A_3 = tpu.memref_slice %arg2[%mul3A_2] : memref<4096xi32, #tpu.memory_space<hbm>> -> memref<128xi32, #tpu.memory_space<hbm>>
    tpu.enqueue_dma source(%dma_start3A_3 : memref<128xi32, #tpu.memory_space<hbm>>) target(%arg8 : memref<128xi32, #tpu.memory_space<vmem>>) target_semaphore(%arg19 : memref<!tpu.dma_semaphore, #tpu.memory_space<semaphore_mem>>)
    %dma_start3A_4 = tpu.memref_slice %arg3[%mul3A_2] : memref<4096xi32, #tpu.memory_space<hbm>> -> memref<128xi32, #tpu.memory_space<hbm>>
    %dma_start3A_5 = tpu.memref_slice %arg3[%mul3A_2] : memref<4096xi32, #tpu.memory_space<hbm>> -> memref<128xi32, #tpu.memory_space<hbm>>
    tpu.enqueue_dma source(%dma_start3A_5 : memref<128xi32, #tpu.memory_space<hbm>>) target(%arg9 : memref<128xi32, #tpu.memory_space<vmem>>) target_semaphore(%arg20 : memref<!tpu.dma_semaphore, #tpu.memory_space<semaphore_mem>>)
    %dma_wait3A = tpu.memref_slice %arg2[%mul3A_2] : memref<4096xi32, #tpu.memory_space<hbm>> -> memref<128xi32, #tpu.memory_space<hbm>>
    %dma_wait3A_6 = tpu.memref_slice %arg2[%mul3A_2] : memref<4096xi32, #tpu.memory_space<hbm>> -> memref<128xi32, #tpu.memory_space<hbm>>
    tpu.wait_dma2 semaphore(%arg19 : memref<!tpu.dma_semaphore, #tpu.memory_space<semaphore_mem>>) src(%dma_wait3A_6 : memref<128xi32, #tpu.memory_space<hbm>>) dst(%arg8 : memref<128xi32, #tpu.memory_space<vmem>>)
    %dma_start3A_7 = arith.constant 0 : i32
    %dma_start3A_8 = arith.constant 0 : i32
    %dma_start3A_9 = tpu.memref_slice %arg4[%dma_start3A_7, %dma_start3A_8] : memref<4096x128xf32, #tpu.memory_space<hbm>> -> memref<4096x128xf32, #tpu.memory_space<hbm>>
    tpu.enqueue_indirect_dma source(%dma_start3A_9 : memref<4096x128xf32, #tpu.memory_space<hbm>>) target(%arg10 : memref<128x128xf32, #tpu.memory_space<vmem>>) offsets(%arg8 : memref<128xi32, #tpu.memory_space<vmem>>) semaphore(%arg13 : memref<!tpu.dma_semaphore, #tpu.memory_space<semaphore_mem>>)
    %dma_wait3A_10 = tpu.memref_slice %arg3[%mul3A_2] : memref<4096xi32, #tpu.memory_space<hbm>> -> memref<128xi32, #tpu.memory_space<hbm>>
    %dma_wait3A_11 = tpu.memref_slice %arg3[%mul3A_2] : memref<4096xi32, #tpu.memory_space<hbm>> -> memref<128xi32, #tpu.memory_space<hbm>>
    tpu.wait_dma2 semaphore(%arg20 : memref<!tpu.dma_semaphore, #tpu.memory_space<semaphore_mem>>) src(%dma_wait3A_11 : memref<128xi32, #tpu.memory_space<hbm>>) dst(%arg9 : memref<128xi32, #tpu.memory_space<vmem>>)
    %dma_start3A_12 = arith.constant 0 : i32
    %dma_start3A_13 = tpu.memref_slice %arg9[%dma_start3A_12] : memref<128xi32, #tpu.memory_space<vmem>> -> memref<64xi32, #tpu.memory_space<vmem>>
    %dma_start3A_14 = arith.constant 0 : i32
    %dma_start3A_15 = arith.constant 0 : i32
    %dma_start3A_16 = tpu.memref_slice %arg5[%dma_start3A_14, %dma_start3A_15] : memref<16384x128xf32, #tpu.memory_space<hbm>> -> memref<16384x128xf32, #tpu.memory_space<hbm>>
    tpu.enqueue_indirect_dma source(%dma_start3A_16 : memref<16384x128xf32, #tpu.memory_space<hbm>>) target(%arg11 : memref<64x128xf32, #tpu.memory_space<vmem>>) offsets(%dma_start3A_13 : memref<64xi32, #tpu.memory_space<vmem>>) semaphore(%arg14 : memref<!tpu.dma_semaphore, #tpu.memory_space<semaphore_mem>>)
    %dma_start3A_17 = arith.constant 64 : i32
    %dma_start3A_18 = tpu.memref_slice %arg9[%dma_start3A_17] : memref<128xi32, #tpu.memory_space<vmem>> -> memref<64xi32, #tpu.memory_space<vmem>>
    %dma_start3A_19 = arith.constant 0 : i32
    %dma_start3A_20 = arith.constant 0 : i32
    %dma_start3A_21 = tpu.memref_slice %arg5[%dma_start3A_19, %dma_start3A_20] : memref<16384x128xf32, #tpu.memory_space<hbm>> -> memref<16384x128xf32, #tpu.memory_space<hbm>>
    tpu.enqueue_indirect_dma source(%dma_start3A_21 : memref<16384x128xf32, #tpu.memory_space<hbm>>) target(%arg12 : memref<64x128xf32, #tpu.memory_space<vmem>>) offsets(%dma_start3A_18 : memref<64xi32, #tpu.memory_space<vmem>>) semaphore(%arg15 : memref<!tpu.dma_semaphore, #tpu.memory_space<semaphore_mem>>)
    %dma_wait3A_22 = arith.constant 0 : i32
    %dma_wait3A_23 = arith.constant 0 : i32
    %dma_wait3A_24 = tpu.memref_slice %arg4[%dma_wait3A_22, %dma_wait3A_23] : memref<4096x128xf32, #tpu.memory_space<hbm>> -> memref<4096x128xf32, #tpu.memory_space<hbm>>
    tpu.wait_indirect_dma semaphore(%arg13 : memref<!tpu.dma_semaphore, #tpu.memory_space<semaphore_mem>>) src(%dma_wait3A_24 : memref<4096x128xf32, #tpu.memory_space<hbm>>) dst(%arg10 : memref<128x128xf32, #tpu.memory_space<vmem>>)
    %dma_start3A_25 = arith.constant 0 : i32
    %dma_start3A_26 = tpu.memref_slice %arg6[%mul3A_2, %dma_start3A_25] : memref<4096x128xf32, #tpu.memory_space<hbm>> -> memref<128x128xf32, #tpu.memory_space<hbm>>
    %dma_start3A_27 = arith.constant 0 : i32
    %dma_start3A_28 = tpu.memref_slice %arg6[%mul3A_2, %dma_start3A_27] : memref<4096x128xf32, #tpu.memory_space<hbm>> -> memref<128x128xf32, #tpu.memory_space<hbm>>
    tpu.enqueue_dma source(%arg10 : memref<128x128xf32, #tpu.memory_space<vmem>>) target(%dma_start3A_28 : memref<128x128xf32, #tpu.memory_space<hbm>>) target_semaphore(%arg16 : memref<!tpu.dma_semaphore, #tpu.memory_space<semaphore_mem>>)
    %dma_wait3A_29 = arith.constant 0 : i32
    %dma_wait3A_30 = tpu.memref_slice %arg9[%dma_wait3A_29] : memref<128xi32, #tpu.memory_space<vmem>> -> memref<64xi32, #tpu.memory_space<vmem>>
    %dma_wait3A_31 = arith.constant 0 : i32
    %dma_wait3A_32 = arith.constant 0 : i32
    %dma_wait3A_33 = tpu.memref_slice %arg5[%dma_wait3A_31, %dma_wait3A_32] : memref<16384x128xf32, #tpu.memory_space<hbm>> -> memref<16384x128xf32, #tpu.memory_space<hbm>>
    tpu.wait_indirect_dma semaphore(%arg14 : memref<!tpu.dma_semaphore, #tpu.memory_space<semaphore_mem>>) src(%dma_wait3A_33 : memref<16384x128xf32, #tpu.memory_space<hbm>>) dst(%arg11 : memref<64x128xf32, #tpu.memory_space<vmem>>)
    %dma_start3A_34 = arith.constant 0 : i32
    %dma_start3A_35 = tpu.memref_slice %arg7[%mul3A_2, %dma_start3A_34] : memref<4096x128xf32, #tpu.memory_space<hbm>> -> memref<64x128xf32, #tpu.memory_space<hbm>>
    %dma_start3A_36 = arith.constant 0 : i32
    %dma_start3A_37 = tpu.memref_slice %arg7[%mul3A_2, %dma_start3A_36] : memref<4096x128xf32, #tpu.memory_space<hbm>> -> memref<64x128xf32, #tpu.memory_space<hbm>>
    tpu.enqueue_dma source(%arg11 : memref<64x128xf32, #tpu.memory_space<vmem>>) target(%dma_start3A_37 : memref<64x128xf32, #tpu.memory_space<hbm>>) target_semaphore(%arg17 : memref<!tpu.dma_semaphore, #tpu.memory_space<semaphore_mem>>)
    %dma_wait3A_38 = arith.constant 64 : i32
    %dma_wait3A_39 = tpu.memref_slice %arg9[%dma_wait3A_38] : memref<128xi32, #tpu.memory_space<vmem>> -> memref<64xi32, #tpu.memory_space<vmem>>
    %dma_wait3A_40 = arith.constant 0 : i32
    %dma_wait3A_41 = arith.constant 0 : i32
    %dma_wait3A_42 = tpu.memref_slice %arg5[%dma_wait3A_40, %dma_wait3A_41] : memref<16384x128xf32, #tpu.memory_space<hbm>> -> memref<16384x128xf32, #tpu.memory_space<hbm>>
    tpu.wait_indirect_dma semaphore(%arg15 : memref<!tpu.dma_semaphore, #tpu.memory_space<semaphore_mem>>) src(%dma_wait3A_42 : memref<16384x128xf32, #tpu.memory_space<hbm>>) dst(%arg12 : memref<64x128xf32, #tpu.memory_space<vmem>>)
    %add3A_43 = arith.constant 64 : i32
    %add3A_44 = arith.addi %mul3A_2, %add3A_43 : i32
    %dma_start3A_45 = arith.constant 0 : i32
    %dma_start3A_46 = tpu.memref_slice %arg7[%add3A_44, %dma_start3A_45] : memref<4096x128xf32, #tpu.memory_space<hbm>> -> memref<64x128xf32, #tpu.memory_space<hbm>>
    %dma_start3A_47 = arith.constant 0 : i32
    %dma_start3A_48 = tpu.memref_slice %arg7[%add3A_44, %dma_start3A_47] : memref<4096x128xf32, #tpu.memory_space<hbm>> -> memref<64x128xf32, #tpu.memory_space<hbm>>
    tpu.enqueue_dma source(%arg12 : memref<64x128xf32, #tpu.memory_space<vmem>>) target(%dma_start3A_48 : memref<64x128xf32, #tpu.memory_space<hbm>>) target_semaphore(%arg18 : memref<!tpu.dma_semaphore, #tpu.memory_space<semaphore_mem>>)
    %dma_wait3A_49 = arith.constant 0 : i32
    %dma_wait3A_50 = tpu.memref_slice %arg6[%mul3A_2, %dma_wait3A_49] : memref<4096x128xf32, #tpu.memory_space<hbm>> -> memref<128x128xf32, #tpu.memory_space<hbm>>
    %dma_wait3A_51 = arith.constant 0 : i32
    %dma_wait3A_52 = tpu.memref_slice %arg6[%mul3A_2, %dma_wait3A_51] : memref<4096x128xf32, #tpu.memory_space<hbm>> -> memref<128x128xf32, #tpu.memory_space<hbm>>
    tpu.wait_dma2 semaphore(%arg16 : memref<!tpu.dma_semaphore, #tpu.memory_space<semaphore_mem>>) src(%arg10 : memref<128x128xf32, #tpu.memory_space<vmem>>) dst(%dma_wait3A_52 : memref<128x128xf32, #tpu.memory_space<hbm>>)
    %dma_wait3A_53 = arith.constant 0 : i32
    %dma_wait3A_54 = tpu.memref_slice %arg7[%mul3A_2, %dma_wait3A_53] : memref<4096x128xf32, #tpu.memory_space<hbm>> -> memref<64x128xf32, #tpu.memory_space<hbm>>
    %dma_wait3A_55 = arith.constant 0 : i32
    %dma_wait3A_56 = tpu.memref_slice %arg7[%mul3A_2, %dma_wait3A_55] : memref<4096x128xf32, #tpu.memory_space<hbm>> -> memref<64x128xf32, #tpu.memory_space<hbm>>
    tpu.wait_dma2 semaphore(%arg17 : memref<!tpu.dma_semaphore, #tpu.memory_space<semaphore_mem>>) src(%arg11 : memref<64x128xf32, #tpu.memory_space<vmem>>) dst(%dma_wait3A_56 : memref<64x128xf32, #tpu.memory_space<hbm>>)
    %dma_wait3A_57 = arith.constant 0 : i32
    %dma_wait3A_58 = tpu.memref_slice %arg7[%add3A_44, %dma_wait3A_57] : memref<4096x128xf32, #tpu.memory_space<hbm>> -> memref<64x128xf32, #tpu.memory_space<hbm>>
    %dma_wait3A_59 = arith.constant 0 : i32
    %dma_wait3A_60 = tpu.memref_slice %arg7[%add3A_44, %dma_wait3A_59] : memref<4096x128xf32, #tpu.memory_space<hbm>> -> memref<64x128xf32, #tpu.memory_space<hbm>>
    tpu.wait_dma2 semaphore(%arg18 : memref<!tpu.dma_semaphore, #tpu.memory_space<semaphore_mem>>) src(%arg12 : memref<64x128xf32, #tpu.memory_space<vmem>>) dst(%dma_wait3A_60 : memref<64x128xf32, #tpu.memory_space<hbm>>)
    return
  }
}

#map = affine_map<(d0, d1) -> (0)>
#map1 = affine_map<(d0, d1) -> (0, 0)>
module attributes {stable_mosaic.version = 14 : i64} {
  func.func @_sc_body(%arg0: i32, %arg1: i32, %arg2: memref<4096xi32, #tpu.memory_space<hbm>>, %arg3: memref<4096xi32, #tpu.memory_space<hbm>>, %arg4: memref<4096x128xf32, #tpu.memory_space<hbm>>, %arg5: memref<16384x128xf32, #tpu.memory_space<hbm>>, %arg6: memref<4096x128xf32, #tpu.memory_space<hbm>>, %arg7: memref<4096x128xf32, #tpu.memory_space<hbm>>, %arg8: memref<128xi32, #tpu.memory_space<vmem>>, %arg9: memref<128xi32, #tpu.memory_space<vmem>>, %arg10: memref<128x128xf32, #tpu.memory_space<vmem>>, %arg11: memref<64x128xf32, #tpu.memory_space<vmem>>, %arg12: memref<64x128xf32, #tpu.memory_space<vmem>>, %arg13: memref<!tpu.dma_semaphore, #tpu.memory_space<semaphore_mem>>, %arg14: memref<!tpu.dma_semaphore, #tpu.memory_space<semaphore_mem>>, %arg15: memref<!tpu.dma_semaphore, #tpu.memory_space<semaphore_mem>>, %arg16: memref<!tpu.dma_semaphore, #tpu.memory_space<semaphore_mem>>, %arg17: memref<!tpu.dma_semaphore, #tpu.memory_space<semaphore_mem>>, %arg18: memref<!tpu.dma_semaphore, #tpu.memory_space<semaphore_mem>>, %arg19: memref<!tpu.dma_semaphore, #tpu.memory_space<semaphore_mem>>, %arg20: memref<!tpu.dma_semaphore, #tpu.memory_space<semaphore_mem>>) attributes {dimension_semantics = [#tpu.dimension_semantics<core_parallel>, #tpu.dimension_semantics<subcore_parallel>], iteration_bounds = array<i64: 2, 16>, scalar_prefetch = 0 : i64, scratch_operands = 13 : i64, tpu.core_type = #tpu.core_type<sc_vector_subcore>, window_params = [{transform_indices = #map}, {transform_indices = #map}, {transform_indices = #map1}, {transform_indices = #map1}, {transform_indices = #map1}, {transform_indices = #map1}]} {
    %mul3A = arith.constant 2 : i32
    %mul3A_0 = arith.muli %arg1, %mul3A : i32
    %add3A = arith.addi %mul3A_0, %arg0 : i32
    %mul3A_1 = arith.constant 128 : i32
    %mul3A_2 = arith.muli %add3A, %mul3A_1 : i32
    %dma_start3A = tpu.memref_slice %arg2[%mul3A_2] : memref<4096xi32, #tpu.memory_space<hbm>> -> memref<128xi32, #tpu.memory_space<hbm>>
    %dma_start3A_3 = tpu.memref_slice %arg2[%mul3A_2] : memref<4096xi32, #tpu.memory_space<hbm>> -> memref<128xi32, #tpu.memory_space<hbm>>
    tpu.enqueue_dma source(%dma_start3A_3 : memref<128xi32, #tpu.memory_space<hbm>>) target(%arg8 : memref<128xi32, #tpu.memory_space<vmem>>) target_semaphore(%arg19 : memref<!tpu.dma_semaphore, #tpu.memory_space<semaphore_mem>>)
    %dma_start3A_4 = tpu.memref_slice %arg3[%mul3A_2] : memref<4096xi32, #tpu.memory_space<hbm>> -> memref<128xi32, #tpu.memory_space<hbm>>
    %dma_start3A_5 = tpu.memref_slice %arg3[%mul3A_2] : memref<4096xi32, #tpu.memory_space<hbm>> -> memref<128xi32, #tpu.memory_space<hbm>>
    tpu.enqueue_dma source(%dma_start3A_5 : memref<128xi32, #tpu.memory_space<hbm>>) target(%arg9 : memref<128xi32, #tpu.memory_space<vmem>>) target_semaphore(%arg20 : memref<!tpu.dma_semaphore, #tpu.memory_space<semaphore_mem>>)
    %dma_wait3A = tpu.memref_slice %arg2[%mul3A_2] : memref<4096xi32, #tpu.memory_space<hbm>> -> memref<128xi32, #tpu.memory_space<hbm>>
    %dma_wait3A_6 = tpu.memref_slice %arg2[%mul3A_2] : memref<4096xi32, #tpu.memory_space<hbm>> -> memref<128xi32, #tpu.memory_space<hbm>>
    tpu.wait_dma2 semaphore(%arg19 : memref<!tpu.dma_semaphore, #tpu.memory_space<semaphore_mem>>) src(%dma_wait3A_6 : memref<128xi32, #tpu.memory_space<hbm>>) dst(%arg8 : memref<128xi32, #tpu.memory_space<vmem>>)
    %dma_start3A_7 = arith.constant 0 : i32
    %dma_start3A_8 = arith.constant 0 : i32
    %dma_start3A_9 = tpu.memref_slice %arg4[%dma_start3A_7, %dma_start3A_8] : memref<4096x128xf32, #tpu.memory_space<hbm>> -> memref<4096x128xf32, #tpu.memory_space<hbm>>
    tpu.enqueue_indirect_dma source(%dma_start3A_9 : memref<4096x128xf32, #tpu.memory_space<hbm>>) target(%arg10 : memref<128x128xf32, #tpu.memory_space<vmem>>) offsets(%arg8 : memref<128xi32, #tpu.memory_space<vmem>>) semaphore(%arg13 : memref<!tpu.dma_semaphore, #tpu.memory_space<semaphore_mem>>)
    %dma_wait3A_10 = tpu.memref_slice %arg3[%mul3A_2] : memref<4096xi32, #tpu.memory_space<hbm>> -> memref<128xi32, #tpu.memory_space<hbm>>
    %dma_wait3A_11 = tpu.memref_slice %arg3[%mul3A_2] : memref<4096xi32, #tpu.memory_space<hbm>> -> memref<128xi32, #tpu.memory_space<hbm>>
    tpu.wait_dma2 semaphore(%arg20 : memref<!tpu.dma_semaphore, #tpu.memory_space<semaphore_mem>>) src(%dma_wait3A_11 : memref<128xi32, #tpu.memory_space<hbm>>) dst(%arg9 : memref<128xi32, #tpu.memory_space<vmem>>)
    %dma_start3A_12 = arith.constant 0 : i32
    %dma_start3A_13 = tpu.memref_slice %arg9[%dma_start3A_12] : memref<128xi32, #tpu.memory_space<vmem>> -> memref<64xi32, #tpu.memory_space<vmem>>
    %dma_start3A_14 = arith.constant 0 : i32
    %dma_start3A_15 = arith.constant 0 : i32
    %dma_start3A_16 = tpu.memref_slice %arg5[%dma_start3A_14, %dma_start3A_15] : memref<16384x128xf32, #tpu.memory_space<hbm>> -> memref<16384x128xf32, #tpu.memory_space<hbm>>
    tpu.enqueue_indirect_dma source(%dma_start3A_16 : memref<16384x128xf32, #tpu.memory_space<hbm>>) target(%arg11 : memref<64x128xf32, #tpu.memory_space<vmem>>) offsets(%dma_start3A_13 : memref<64xi32, #tpu.memory_space<vmem>>) semaphore(%arg14 : memref<!tpu.dma_semaphore, #tpu.memory_space<semaphore_mem>>)
    %dma_start3A_17 = arith.constant 64 : i32
    %dma_start3A_18 = tpu.memref_slice %arg9[%dma_start3A_17] : memref<128xi32, #tpu.memory_space<vmem>> -> memref<64xi32, #tpu.memory_space<vmem>>
    %dma_start3A_19 = arith.constant 0 : i32
    %dma_start3A_20 = arith.constant 0 : i32
    %dma_start3A_21 = tpu.memref_slice %arg5[%dma_start3A_19, %dma_start3A_20] : memref<16384x128xf32, #tpu.memory_space<hbm>> -> memref<16384x128xf32, #tpu.memory_space<hbm>>
    tpu.enqueue_indirect_dma source(%dma_start3A_21 : memref<16384x128xf32, #tpu.memory_space<hbm>>) target(%arg12 : memref<64x128xf32, #tpu.memory_space<vmem>>) offsets(%dma_start3A_18 : memref<64xi32, #tpu.memory_space<vmem>>) semaphore(%arg15 : memref<!tpu.dma_semaphore, #tpu.memory_space<semaphore_mem>>)
    %dma_wait3A_22 = arith.constant 0 : i32
    %dma_wait3A_23 = arith.constant 0 : i32
    %dma_wait3A_24 = tpu.memref_slice %arg4[%dma_wait3A_22, %dma_wait3A_23] : memref<4096x128xf32, #tpu.memory_space<hbm>> -> memref<4096x128xf32, #tpu.memory_space<hbm>>
    tpu.wait_indirect_dma semaphore(%arg13 : memref<!tpu.dma_semaphore, #tpu.memory_space<semaphore_mem>>) src(%dma_wait3A_24 : memref<4096x128xf32, #tpu.memory_space<hbm>>) dst(%arg10 : memref<128x128xf32, #tpu.memory_space<vmem>>)
    %dma_start3A_25 = arith.constant 0 : i32
    %dma_start3A_26 = tpu.memref_slice %arg6[%mul3A_2, %dma_start3A_25] : memref<4096x128xf32, #tpu.memory_space<hbm>> -> memref<128x128xf32, #tpu.memory_space<hbm>>
    %dma_start3A_27 = arith.constant 0 : i32
    %dma_start3A_28 = tpu.memref_slice %arg6[%mul3A_2, %dma_start3A_27] : memref<4096x128xf32, #tpu.memory_space<hbm>> -> memref<128x128xf32, #tpu.memory_space<hbm>>
    tpu.enqueue_dma source(%arg10 : memref<128x128xf32, #tpu.memory_space<vmem>>) target(%dma_start3A_28 : memref<128x128xf32, #tpu.memory_space<hbm>>) target_semaphore(%arg16 : memref<!tpu.dma_semaphore, #tpu.memory_space<semaphore_mem>>)
    %dma_wait3A_29 = arith.constant 0 : i32
    %dma_wait3A_30 = tpu.memref_slice %arg9[%dma_wait3A_29] : memref<128xi32, #tpu.memory_space<vmem>> -> memref<64xi32, #tpu.memory_space<vmem>>
    %dma_wait3A_31 = arith.constant 0 : i32
    %dma_wait3A_32 = arith.constant 0 : i32
    %dma_wait3A_33 = tpu.memref_slice %arg5[%dma_wait3A_31, %dma_wait3A_32] : memref<16384x128xf32, #tpu.memory_space<hbm>> -> memref<16384x128xf32, #tpu.memory_space<hbm>>
    tpu.wait_indirect_dma semaphore(%arg14 : memref<!tpu.dma_semaphore, #tpu.memory_space<semaphore_mem>>) src(%dma_wait3A_33 : memref<16384x128xf32, #tpu.memory_space<hbm>>) dst(%arg11 : memref<64x128xf32, #tpu.memory_space<vmem>>)
    %dma_start3A_34 = arith.constant 0 : i32
    %dma_start3A_35 = tpu.memref_slice %arg7[%mul3A_2, %dma_start3A_34] : memref<4096x128xf32, #tpu.memory_space<hbm>> -> memref<64x128xf32, #tpu.memory_space<hbm>>
    %dma_start3A_36 = arith.constant 0 : i32
    %dma_start3A_37 = tpu.memref_slice %arg7[%mul3A_2, %dma_start3A_36] : memref<4096x128xf32, #tpu.memory_space<hbm>> -> memref<64x128xf32, #tpu.memory_space<hbm>>
    tpu.enqueue_dma source(%arg11 : memref<64x128xf32, #tpu.memory_space<vmem>>) target(%dma_start3A_37 : memref<64x128xf32, #tpu.memory_space<hbm>>) target_semaphore(%arg17 : memref<!tpu.dma_semaphore, #tpu.memory_space<semaphore_mem>>)
    %dma_wait3A_38 = arith.constant 64 : i32
    %dma_wait3A_39 = tpu.memref_slice %arg9[%dma_wait3A_38] : memref<128xi32, #tpu.memory_space<vmem>> -> memref<64xi32, #tpu.memory_space<vmem>>
    %dma_wait3A_40 = arith.constant 0 : i32
    %dma_wait3A_41 = arith.constant 0 : i32
    %dma_wait3A_42 = tpu.memref_slice %arg5[%dma_wait3A_40, %dma_wait3A_41] : memref<16384x128xf32, #tpu.memory_space<hbm>> -> memref<16384x128xf32, #tpu.memory_space<hbm>>
    tpu.wait_indirect_dma semaphore(%arg15 : memref<!tpu.dma_semaphore, #tpu.memory_space<semaphore_mem>>) src(%dma_wait3A_42 : memref<16384x128xf32, #tpu.memory_space<hbm>>) dst(%arg12 : memref<64x128xf32, #tpu.memory_space<vmem>>)
    %add3A_43 = arith.constant 64 : i32
    %add3A_44 = arith.addi %mul3A_2, %add3A_43 : i32
    %dma_start3A_45 = arith.constant 0 : i32
    %dma_start3A_46 = tpu.memref_slice %arg7[%add3A_44, %dma_start3A_45] : memref<4096x128xf32, #tpu.memory_space<hbm>> -> memref<64x128xf32, #tpu.memory_space<hbm>>
    %dma_start3A_47 = arith.constant 0 : i32
    %dma_start3A_48 = tpu.memref_slice %arg7[%add3A_44, %dma_start3A_47] : memref<4096x128xf32, #tpu.memory_space<hbm>> -> memref<64x128xf32, #tpu.memory_space<hbm>>
    tpu.enqueue_dma source(%arg12 : memref<64x128xf32, #tpu.memory_space<vmem>>) target(%dma_start3A_48 : memref<64x128xf32, #tpu.memory_space<hbm>>) target_semaphore(%arg18 : memref<!tpu.dma_semaphore, #tpu.memory_space<semaphore_mem>>)
    %dma_wait3A_49 = arith.constant 0 : i32
    %dma_wait3A_50 = tpu.memref_slice %arg6[%mul3A_2, %dma_wait3A_49] : memref<4096x128xf32, #tpu.memory_space<hbm>> -> memref<128x128xf32, #tpu.memory_space<hbm>>
    %dma_wait3A_51 = arith.constant 0 : i32
    %dma_wait3A_52 = tpu.memref_slice %arg6[%mul3A_2, %dma_wait3A_51] : memref<4096x128xf32, #tpu.memory_space<hbm>> -> memref<128x128xf32, #tpu.memory_space<hbm>>
    tpu.wait_dma2 semaphore(%arg16 : memref<!tpu.dma_semaphore, #tpu.memory_space<semaphore_mem>>) src(%arg10 : memref<128x128xf32, #tpu.memory_space<vmem>>) dst(%dma_wait3A_52 : memref<128x128xf32, #tpu.memory_space<hbm>>)
    %dma_wait3A_53 = arith.constant 0 : i32
    %dma_wait3A_54 = tpu.memref_slice %arg7[%mul3A_2, %dma_wait3A_53] : memref<4096x128xf32, #tpu.memory_space<hbm>> -> memref<64x128xf32, #tpu.memory_space<hbm>>
    %dma_wait3A_55 = arith.constant 0 : i32
    %dma_wait3A_56 = tpu.memref_slice %arg7[%mul3A_2, %dma_wait3A_55] : memref<4096x128xf32, #tpu.memory_space<hbm>> -> memref<64x128xf32, #tpu.memory_space<hbm>>
    tpu.wait_dma2 semaphore(%arg17 : memref<!tpu.dma_semaphore, #tpu.memory_space<semaphore_mem>>) src(%arg11 : memref<64x128xf32, #tpu.memory_space<vmem>>) dst(%dma_wait3A_56 : memref<64x128xf32, #tpu.memory_space<hbm>>)
    %dma_wait3A_57 = arith.constant 0 : i32
    %dma_wait3A_58 = tpu.memref_slice %arg7[%add3A_44, %dma_wait3A_57] : memref<4096x128xf32, #tpu.memory_space<hbm>> -> memref<64x128xf32, #tpu.memory_space<hbm>>
    %dma_wait3A_59 = arith.constant 0 : i32
    %dma_wait3A_60 = tpu.memref_slice %arg7[%add3A_44, %dma_wait3A_59] : memref<4096x128xf32, #tpu.memory_space<hbm>> -> memref<64x128xf32, #tpu.memory_space<hbm>>
    tpu.wait_dma2 semaphore(%arg18 : memref<!tpu.dma_semaphore, #tpu.memory_space<semaphore_mem>>) src(%arg12 : memref<64x128xf32, #tpu.memory_space<vmem>>) dst(%dma_wait3A_60 : memref<64x128xf32, #tpu.memory_space<hbm>>)
    return
  }
}

#map = affine_map<(d0, d1) -> (0)>
#map1 = affine_map<(d0, d1) -> (0, 0)>
module attributes {stable_mosaic.version = 14 : i64} {
  func.func @_sc_body(%arg0: i32, %arg1: i32, %arg2: memref<4096xi32, #tpu.memory_space<hbm>>, %arg3: memref<4096xi32, #tpu.memory_space<hbm>>, %arg4: memref<4096x128xf32, #tpu.memory_space<hbm>>, %arg5: memref<16384x128xf32, #tpu.memory_space<hbm>>, %arg6: memref<4096x128xf32, #tpu.memory_space<hbm>>, %arg7: memref<4096x128xf32, #tpu.memory_space<hbm>>, %arg8: memref<128xi32, #tpu.memory_space<vmem>>, %arg9: memref<128xi32, #tpu.memory_space<vmem>>, %arg10: memref<128x128xf32, #tpu.memory_space<vmem>>, %arg11: memref<64x128xf32, #tpu.memory_space<vmem>>, %arg12: memref<64x128xf32, #tpu.memory_space<vmem>>, %arg13: memref<!tpu.dma_semaphore, #tpu.memory_space<semaphore_mem>>, %arg14: memref<!tpu.dma_semaphore, #tpu.memory_space<semaphore_mem>>, %arg15: memref<!tpu.dma_semaphore, #tpu.memory_space<semaphore_mem>>, %arg16: memref<!tpu.dma_semaphore, #tpu.memory_space<semaphore_mem>>, %arg17: memref<!tpu.dma_semaphore, #tpu.memory_space<semaphore_mem>>, %arg18: memref<!tpu.dma_semaphore, #tpu.memory_space<semaphore_mem>>, %arg19: memref<!tpu.dma_semaphore, #tpu.memory_space<semaphore_mem>>, %arg20: memref<!tpu.dma_semaphore, #tpu.memory_space<semaphore_mem>>) attributes {dimension_semantics = [#tpu.dimension_semantics<core_parallel>, #tpu.dimension_semantics<subcore_parallel>], iteration_bounds = array<i64: 2, 16>, scalar_prefetch = 0 : i64, scratch_operands = 13 : i64, tpu.core_type = #tpu.core_type<sc_vector_subcore>, window_params = [{transform_indices = #map}, {transform_indices = #map}, {transform_indices = #map1}, {transform_indices = #map1}, {transform_indices = #map1}, {transform_indices = #map1}]} {
    %mul3A = arith.constant 2 : i32
    %mul3A_0 = arith.muli %arg1, %mul3A : i32
    %add3A = arith.addi %mul3A_0, %arg0 : i32
    %mul3A_1 = arith.constant 128 : i32
    %mul3A_2 = arith.muli %add3A, %mul3A_1 : i32
    %dma_start3A = tpu.memref_slice %arg2[%mul3A_2] : memref<4096xi32, #tpu.memory_space<hbm>> -> memref<128xi32, #tpu.memory_space<hbm>>
    %dma_start3A_3 = tpu.memref_slice %arg2[%mul3A_2] : memref<4096xi32, #tpu.memory_space<hbm>> -> memref<128xi32, #tpu.memory_space<hbm>>
    tpu.enqueue_dma source(%dma_start3A_3 : memref<128xi32, #tpu.memory_space<hbm>>) target(%arg8 : memref<128xi32, #tpu.memory_space<vmem>>) target_semaphore(%arg19 : memref<!tpu.dma_semaphore, #tpu.memory_space<semaphore_mem>>)
    %dma_start3A_4 = tpu.memref_slice %arg3[%mul3A_2] : memref<4096xi32, #tpu.memory_space<hbm>> -> memref<128xi32, #tpu.memory_space<hbm>>
    %dma_start3A_5 = tpu.memref_slice %arg3[%mul3A_2] : memref<4096xi32, #tpu.memory_space<hbm>> -> memref<128xi32, #tpu.memory_space<hbm>>
    tpu.enqueue_dma source(%dma_start3A_5 : memref<128xi32, #tpu.memory_space<hbm>>) target(%arg9 : memref<128xi32, #tpu.memory_space<vmem>>) target_semaphore(%arg20 : memref<!tpu.dma_semaphore, #tpu.memory_space<semaphore_mem>>)
    %dma_wait3A = tpu.memref_slice %arg2[%mul3A_2] : memref<4096xi32, #tpu.memory_space<hbm>> -> memref<128xi32, #tpu.memory_space<hbm>>
    %dma_wait3A_6 = tpu.memref_slice %arg2[%mul3A_2] : memref<4096xi32, #tpu.memory_space<hbm>> -> memref<128xi32, #tpu.memory_space<hbm>>
    tpu.wait_dma2 semaphore(%arg19 : memref<!tpu.dma_semaphore, #tpu.memory_space<semaphore_mem>>) src(%dma_wait3A_6 : memref<128xi32, #tpu.memory_space<hbm>>) dst(%arg8 : memref<128xi32, #tpu.memory_space<vmem>>)
    %dma_start3A_7 = arith.constant 0 : i32
    %dma_start3A_8 = arith.constant 0 : i32
    %dma_start3A_9 = tpu.memref_slice %arg4[%dma_start3A_7, %dma_start3A_8] : memref<4096x128xf32, #tpu.memory_space<hbm>> -> memref<4096x128xf32, #tpu.memory_space<hbm>>
    tpu.enqueue_indirect_dma source(%dma_start3A_9 : memref<4096x128xf32, #tpu.memory_space<hbm>>) target(%arg10 : memref<128x128xf32, #tpu.memory_space<vmem>>) offsets(%arg8 : memref<128xi32, #tpu.memory_space<vmem>>) semaphore(%arg13 : memref<!tpu.dma_semaphore, #tpu.memory_space<semaphore_mem>>)
    %dma_wait3A_10 = tpu.memref_slice %arg3[%mul3A_2] : memref<4096xi32, #tpu.memory_space<hbm>> -> memref<128xi32, #tpu.memory_space<hbm>>
    %dma_wait3A_11 = tpu.memref_slice %arg3[%mul3A_2] : memref<4096xi32, #tpu.memory_space<hbm>> -> memref<128xi32, #tpu.memory_space<hbm>>
    tpu.wait_dma2 semaphore(%arg20 : memref<!tpu.dma_semaphore, #tpu.memory_space<semaphore_mem>>) src(%dma_wait3A_11 : memref<128xi32, #tpu.memory_space<hbm>>) dst(%arg9 : memref<128xi32, #tpu.memory_space<vmem>>)
    %dma_start3A_12 = arith.constant 0 : i32
    %dma_start3A_13 = tpu.memref_slice %arg9[%dma_start3A_12] : memref<128xi32, #tpu.memory_space<vmem>> -> memref<64xi32, #tpu.memory_space<vmem>>
    %dma_start3A_14 = arith.constant 0 : i32
    %dma_start3A_15 = arith.constant 0 : i32
    %dma_start3A_16 = tpu.memref_slice %arg5[%dma_start3A_14, %dma_start3A_15] : memref<16384x128xf32, #tpu.memory_space<hbm>> -> memref<16384x128xf32, #tpu.memory_space<hbm>>
    tpu.enqueue_indirect_dma source(%dma_start3A_16 : memref<16384x128xf32, #tpu.memory_space<hbm>>) target(%arg11 : memref<64x128xf32, #tpu.memory_space<vmem>>) offsets(%dma_start3A_13 : memref<64xi32, #tpu.memory_space<vmem>>) semaphore(%arg14 : memref<!tpu.dma_semaphore, #tpu.memory_space<semaphore_mem>>)
    %dma_start3A_17 = arith.constant 64 : i32
    %dma_start3A_18 = tpu.memref_slice %arg9[%dma_start3A_17] : memref<128xi32, #tpu.memory_space<vmem>> -> memref<64xi32, #tpu.memory_space<vmem>>
    %dma_start3A_19 = arith.constant 0 : i32
    %dma_start3A_20 = arith.constant 0 : i32
    %dma_start3A_21 = tpu.memref_slice %arg5[%dma_start3A_19, %dma_start3A_20] : memref<16384x128xf32, #tpu.memory_space<hbm>> -> memref<16384x128xf32, #tpu.memory_space<hbm>>
    tpu.enqueue_indirect_dma source(%dma_start3A_21 : memref<16384x128xf32, #tpu.memory_space<hbm>>) target(%arg12 : memref<64x128xf32, #tpu.memory_space<vmem>>) offsets(%dma_start3A_18 : memref<64xi32, #tpu.memory_space<vmem>>) semaphore(%arg15 : memref<!tpu.dma_semaphore, #tpu.memory_space<semaphore_mem>>)
    %dma_wait3A_22 = arith.constant 0 : i32
    %dma_wait3A_23 = arith.constant 0 : i32
    %dma_wait3A_24 = tpu.memref_slice %arg4[%dma_wait3A_22, %dma_wait3A_23] : memref<4096x128xf32, #tpu.memory_space<hbm>> -> memref<4096x128xf32, #tpu.memory_space<hbm>>
    tpu.wait_indirect_dma semaphore(%arg13 : memref<!tpu.dma_semaphore, #tpu.memory_space<semaphore_mem>>) src(%dma_wait3A_24 : memref<4096x128xf32, #tpu.memory_space<hbm>>) dst(%arg10 : memref<128x128xf32, #tpu.memory_space<vmem>>)
    %dma_start3A_25 = arith.constant 0 : i32
    %dma_start3A_26 = tpu.memref_slice %arg6[%mul3A_2, %dma_start3A_25] : memref<4096x128xf32, #tpu.memory_space<hbm>> -> memref<128x128xf32, #tpu.memory_space<hbm>>
    %dma_start3A_27 = arith.constant 0 : i32
    %dma_start3A_28 = tpu.memref_slice %arg6[%mul3A_2, %dma_start3A_27] : memref<4096x128xf32, #tpu.memory_space<hbm>> -> memref<128x128xf32, #tpu.memory_space<hbm>>
    tpu.enqueue_dma source(%arg10 : memref<128x128xf32, #tpu.memory_space<vmem>>) target(%dma_start3A_28 : memref<128x128xf32, #tpu.memory_space<hbm>>) target_semaphore(%arg16 : memref<!tpu.dma_semaphore, #tpu.memory_space<semaphore_mem>>)
    %dma_wait3A_29 = arith.constant 0 : i32
    %dma_wait3A_30 = tpu.memref_slice %arg9[%dma_wait3A_29] : memref<128xi32, #tpu.memory_space<vmem>> -> memref<64xi32, #tpu.memory_space<vmem>>
    %dma_wait3A_31 = arith.constant 0 : i32
    %dma_wait3A_32 = arith.constant 0 : i32
    %dma_wait3A_33 = tpu.memref_slice %arg5[%dma_wait3A_31, %dma_wait3A_32] : memref<16384x128xf32, #tpu.memory_space<hbm>> -> memref<16384x128xf32, #tpu.memory_space<hbm>>
    tpu.wait_indirect_dma semaphore(%arg14 : memref<!tpu.dma_semaphore, #tpu.memory_space<semaphore_mem>>) src(%dma_wait3A_33 : memref<16384x128xf32, #tpu.memory_space<hbm>>) dst(%arg11 : memref<64x128xf32, #tpu.memory_space<vmem>>)
    %dma_start3A_34 = arith.constant 0 : i32
    %dma_start3A_35 = tpu.memref_slice %arg7[%mul3A_2, %dma_start3A_34] : memref<4096x128xf32, #tpu.memory_space<hbm>> -> memref<64x128xf32, #tpu.memory_space<hbm>>
    %dma_start3A_36 = arith.constant 0 : i32
    %dma_start3A_37 = tpu.memref_slice %arg7[%mul3A_2, %dma_start3A_36] : memref<4096x128xf32, #tpu.memory_space<hbm>> -> memref<64x128xf32, #tpu.memory_space<hbm>>
    tpu.enqueue_dma source(%arg11 : memref<64x128xf32, #tpu.memory_space<vmem>>) target(%dma_start3A_37 : memref<64x128xf32, #tpu.memory_space<hbm>>) target_semaphore(%arg17 : memref<!tpu.dma_semaphore, #tpu.memory_space<semaphore_mem>>)
    %dma_wait3A_38 = arith.constant 64 : i32
    %dma_wait3A_39 = tpu.memref_slice %arg9[%dma_wait3A_38] : memref<128xi32, #tpu.memory_space<vmem>> -> memref<64xi32, #tpu.memory_space<vmem>>
    %dma_wait3A_40 = arith.constant 0 : i32
    %dma_wait3A_41 = arith.constant 0 : i32
    %dma_wait3A_42 = tpu.memref_slice %arg5[%dma_wait3A_40, %dma_wait3A_41] : memref<16384x128xf32, #tpu.memory_space<hbm>> -> memref<16384x128xf32, #tpu.memory_space<hbm>>
    tpu.wait_indirect_dma semaphore(%arg15 : memref<!tpu.dma_semaphore, #tpu.memory_space<semaphore_mem>>) src(%dma_wait3A_42 : memref<16384x128xf32, #tpu.memory_space<hbm>>) dst(%arg12 : memref<64x128xf32, #tpu.memory_space<vmem>>)
    %add3A_43 = arith.constant 64 : i32
    %add3A_44 = arith.addi %mul3A_2, %add3A_43 : i32
    %dma_start3A_45 = arith.constant 0 : i32
    %dma_start3A_46 = tpu.memref_slice %arg7[%add3A_44, %dma_start3A_45] : memref<4096x128xf32, #tpu.memory_space<hbm>> -> memref<64x128xf32, #tpu.memory_space<hbm>>
    %dma_start3A_47 = arith.constant 0 : i32
    %dma_start3A_48 = tpu.memref_slice %arg7[%add3A_44, %dma_start3A_47] : memref<4096x128xf32, #tpu.memory_space<hbm>> -> memref<64x128xf32, #tpu.memory_space<hbm>>
    tpu.enqueue_dma source(%arg12 : memref<64x128xf32, #tpu.memory_space<vmem>>) target(%dma_start3A_48 : memref<64x128xf32, #tpu.memory_space<hbm>>) target_semaphore(%arg18 : memref<!tpu.dma_semaphore, #tpu.memory_space<semaphore_mem>>)
    %dma_wait3A_49 = arith.constant 0 : i32
    %dma_wait3A_50 = tpu.memref_slice %arg6[%mul3A_2, %dma_wait3A_49] : memref<4096x128xf32, #tpu.memory_space<hbm>> -> memref<128x128xf32, #tpu.memory_space<hbm>>
    %dma_wait3A_51 = arith.constant 0 : i32
    %dma_wait3A_52 = tpu.memref_slice %arg6[%mul3A_2, %dma_wait3A_51] : memref<4096x128xf32, #tpu.memory_space<hbm>> -> memref<128x128xf32, #tpu.memory_space<hbm>>
    tpu.wait_dma2 semaphore(%arg16 : memref<!tpu.dma_semaphore, #tpu.memory_space<semaphore_mem>>) src(%arg10 : memref<128x128xf32, #tpu.memory_space<vmem>>) dst(%dma_wait3A_52 : memref<128x128xf32, #tpu.memory_space<hbm>>)
    %dma_wait3A_53 = arith.constant 0 : i32
    %dma_wait3A_54 = tpu.memref_slice %arg7[%mul3A_2, %dma_wait3A_53] : memref<4096x128xf32, #tpu.memory_space<hbm>> -> memref<64x128xf32, #tpu.memory_space<hbm>>
    %dma_wait3A_55 = arith.constant 0 : i32
    %dma_wait3A_56 = tpu.memref_slice %arg7[%mul3A_2, %dma_wait3A_55] : memref<4096x128xf32, #tpu.memory_space<hbm>> -> memref<64x128xf32, #tpu.memory_space<hbm>>
    tpu.wait_dma2 semaphore(%arg17 : memref<!tpu.dma_semaphore, #tpu.memory_space<semaphore_mem>>) src(%arg11 : memref<64x128xf32, #tpu.memory_space<vmem>>) dst(%dma_wait3A_56 : memref<64x128xf32, #tpu.memory_space<hbm>>)
    %dma_wait3A_57 = arith.constant 0 : i32
    %dma_wait3A_58 = tpu.memref_slice %arg7[%add3A_44, %dma_wait3A_57] : memref<4096x128xf32, #tpu.memory_space<hbm>> -> memref<64x128xf32, #tpu.memory_space<hbm>>
    %dma_wait3A_59 = arith.constant 0 : i32
    %dma_wait3A_60 = tpu.memref_slice %arg7[%add3A_44, %dma_wait3A_59] : memref<4096x128xf32, #tpu.memory_space<hbm>> -> memref<64x128xf32, #tpu.memory_space<hbm>>
    tpu.wait_dma2 semaphore(%arg18 : memref<!tpu.dma_semaphore, #tpu.memory_space<semaphore_mem>>) src(%arg12 : memref<64x128xf32, #tpu.memory_space<vmem>>) dst(%dma_wait3A_60 : memref<64x128xf32, #tpu.memory_space<hbm>>)
    return
  }
}

module attributes {stable_mosaic.version = 14 : i64} {
  func.func @_tc_body_second(%arg0: i32, %arg1: memref<8x256xf32, #tpu.memory_space<vmem>>, %arg2: memref<4096x128xf32, #tpu.memory_space<vmem>>, %arg3: memref<4096x128xf32, #tpu.memory_space<vmem>>, %arg4: memref<1x1x4096xi32, #tpu.memory_space<vmem>>, %arg5: memref<32x32xf32, #tpu.memory_space<vmem>>, %arg6: memref<128x256xf32, #tpu.memory_space<vmem>>, %arg7: memref<128x256xf32, #tpu.memory_space<vmem>>, %arg8: memref<32x256xf32, #tpu.memory_space<vmem>>, %arg9: memref<1x256xf32, #tpu.memory_space<vmem>>, %arg10: memref<1x256xf32, #tpu.memory_space<vmem>>, %arg11: memref<1x256xf32, #tpu.memory_space<vmem>>, %arg12: memref<4096x256xf32, #tpu.memory_space<vmem>>) attributes {dimension_semantics = [#tpu.dimension_semantics<arbitrary>], iteration_bounds = array<i64: 1>, scalar_prefetch = 0 : i64, scratch_operands = 0 : i64, tpu.core_type = #tpu.core_type<tc>, window_params = [{transform_indices = @transform_0, window_bounds = array<i64: 8, 256>}, {transform_indices = @transform_1, window_bounds = array<i64: 4096, 128>}, {transform_indices = @transform_2, window_bounds = array<i64: 4096, 128>}, {transform_indices = @transform_3, window_bounds = array<i64: 1, 1, 4096>}, {pipeline_mode = #tpu.pipeline_mode<synchronous>, transform_indices = @transform_4, window_bounds = array<i64: 32, 32>}, {transform_indices = @transform_5, window_bounds = array<i64: 128, 256>}, {transform_indices = @transform_6, window_bounds = array<i64: 128, 256>}, {transform_indices = @transform_7, window_bounds = array<i64: 32, 256>}, {pipeline_mode = #tpu.pipeline_mode<synchronous>, transform_indices = @transform_8, window_bounds = array<i64: 1, 256>}, {pipeline_mode = #tpu.pipeline_mode<synchronous>, transform_indices = @transform_9, window_bounds = array<i64: 1, 256>}, {pipeline_mode = #tpu.pipeline_mode<synchronous>, transform_indices = @transform_10, window_bounds = array<i64: 1, 256>}, {transform_indices = @transform_11, window_bounds = array<i64: 4096, 256>}]} {
    %get3A = arith.constant 0 : index
    %get3A_0 = arith.constant 0 : index
    %get3A_1 = vector.load %arg5[%get3A, %get3A_0] : memref<32x32xf32, #tpu.memory_space<vmem>>, vector<32x32xf32>
    %get3A_2 = arith.constant 0 : index
    %get3A_3 = arith.constant 0 : index
    %get3A_4 = vector.load %arg8[%get3A_2, %get3A_3] : memref<32x256xf32, #tpu.memory_space<vmem>>, vector<32x256xf32>
    %dot_general3A = arith.constant dense<0.000000e+00> : vector<32x256xf32>
    %dot_general3A_5 = tpu.matmul %get3A_1, %get3A_4, %dot_general3A {dimension_numbers = #tpu.dot_dimension_numbers<[1], [0], [0], [1], [0, 0, 1, 1], [], []>, transpose_lhs_hint = false} : vector<32x32xf32>, vector<32x256xf32>, vector<32x256xf32> -> vector<32x256xf32>
    %get3A_6 = arith.constant 0 : index
    %get3A_7 = arith.constant 0 : index
    %get3A_8 = arith.constant 0 : index
    %get3A_9 = vector.load %arg4[%get3A_6, %get3A_7, %get3A_8] : memref<1x1x4096xi32, #tpu.memory_space<vmem>>, vector<1x1x4096xi32>
    %get3A_10 = vector.shape_cast %get3A_9 : vector<1x1x4096xi32> to vector<4096xi32>
    %broadcast_in_dim3A = vector.shape_cast %get3A_10 : vector<4096xi32> to vector<4096x1xi32>
    %iota3A = tpu.iota {dimensions = array<i32: 1>} : vector<1x32xi32>
    %eq3A = vector.broadcast %broadcast_in_dim3A : vector<4096x1xi32> to vector<4096x32xi32>
    %eq3A_11 = vector.broadcast %iota3A : vector<1x32xi32> to vector<4096x32xi32>
    %eq3A_12 = arith.cmpi eq, %eq3A, %eq3A_11 : vector<4096x32xi32>
    %convert_element_type3A = arith.extui %eq3A_12 : vector<4096x32xi1> to vector<4096x32xi32>
    %convert_element_type3A_13 = arith.sitofp %convert_element_type3A : vector<4096x32xi32> to vector<4096x32xf32>
    %get3A_14 = arith.constant 0 : index
    %get3A_15 = arith.constant 0 : index
    %get3A_16 = vector.load %arg2[%get3A_14, %get3A_15] : memref<4096x128xf32, #tpu.memory_space<vmem>>, vector<4096x128xf32>
    %get3A_17 = arith.constant 0 : index
    %get3A_18 = arith.constant 0 : index
    %get3A_19 = vector.load %arg6[%get3A_17, %get3A_18] : memref<128x256xf32, #tpu.memory_space<vmem>>, vector<128x256xf32>
    %dot_general3A_20 = arith.constant dense<0.000000e+00> : vector<4096x256xf32>
    %dot_general3A_21 = tpu.matmul %get3A_16, %get3A_19, %dot_general3A_20 {dimension_numbers = #tpu.dot_dimension_numbers<[1], [0], [0], [1], [0, 0, 1, 1], [], []>, transpose_lhs_hint = false} : vector<4096x128xf32>, vector<128x256xf32>, vector<4096x256xf32> -> vector<4096x256xf32>
    %get3A_22 = arith.constant 0 : index
    %get3A_23 = arith.constant 0 : index
    %get3A_24 = vector.load %arg3[%get3A_22, %get3A_23] : memref<4096x128xf32, #tpu.memory_space<vmem>>, vector<4096x128xf32>
    %get3A_25 = arith.constant 0 : index
    %get3A_26 = arith.constant 0 : index
    %get3A_27 = vector.load %arg7[%get3A_25, %get3A_26] : memref<128x256xf32, #tpu.memory_space<vmem>>, vector<128x256xf32>
    %dot_general3A_28 = arith.constant dense<0.000000e+00> : vector<4096x256xf32>
    %dot_general3A_29 = tpu.matmul %get3A_24, %get3A_27, %dot_general3A_28 {dimension_numbers = #tpu.dot_dimension_numbers<[1], [0], [0], [1], [0, 0, 1, 1], [], []>, transpose_lhs_hint = false} : vector<4096x128xf32>, vector<128x256xf32>, vector<4096x256xf32> -> vector<4096x256xf32>
    %add3A = arith.addf %dot_general3A_21, %dot_general3A_29 : vector<4096x256xf32>
    %dot_general3A_30 = arith.constant dense<0.000000e+00> : vector<4096x256xf32>
    %dot_general3A_31 = tpu.matmul %convert_element_type3A_13, %dot_general3A_5, %dot_general3A_30 {dimension_numbers = #tpu.dot_dimension_numbers<[1], [0], [0], [1], [0, 0, 1, 1], [], []>, transpose_lhs_hint = false} : vector<4096x32xf32>, vector<32x256xf32>, vector<4096x256xf32> -> vector<4096x256xf32>
    %add3A_32 = arith.addf %add3A, %dot_general3A_31 : vector<4096x256xf32>
    %get3A_33 = arith.constant 0 : index
    %get3A_34 = arith.constant 0 : index
    %get3A_35 = vector.load %arg9[%get3A_33, %get3A_34] : memref<1x256xf32, #tpu.memory_space<vmem>>, vector<1x256xf32>
    %add3A_36 = vector.broadcast %get3A_35 : vector<1x256xf32> to vector<4096x256xf32>
    %add3A_37 = arith.addf %add3A_32, %add3A_36 : vector<4096x256xf32>
    %reduce_sum3A = arith.constant dense<0.000000e+00> : vector<4096xf32>
    %reduce_sum3A_38 = vector.multi_reduction <add>, %add3A_37, %reduce_sum3A [1] : vector<4096x256xf32> to vector<4096xf32>
    %broadcast_in_dim3A_39 = vector.shape_cast %reduce_sum3A_38 : vector<4096xf32> to vector<4096x1xf32>
    %div3A = arith.constant 2.560000e+02 : f32
    %div3A_40 = vector.broadcast %div3A : f32 to vector<4096x1xf32>
    %div3A_41 = arith.divf %broadcast_in_dim3A_39, %div3A_40 : vector<4096x1xf32>
    %sub3A = vector.broadcast %div3A_41 : vector<4096x1xf32> to vector<4096x256xf32>
    %sub3A_42 = arith.subf %add3A_37, %sub3A : vector<4096x256xf32>
    %mul3A = arith.mulf %sub3A_42, %sub3A_42 : vector<4096x256xf32>
    %reduce_sum3A_43 = arith.constant dense<0.000000e+00> : vector<4096xf32>
    %reduce_sum3A_44 = vector.multi_reduction <add>, %mul3A, %reduce_sum3A_43 [1] : vector<4096x256xf32> to vector<4096xf32>
    %broadcast_in_dim3A_45 = vector.shape_cast %reduce_sum3A_44 : vector<4096xf32> to vector<4096x1xf32>
    %div3A_46 = arith.constant 2.560000e+02 : f32
    %div3A_47 = vector.broadcast %div3A_46 : f32 to vector<4096x1xf32>
    %div3A_48 = arith.divf %broadcast_in_dim3A_45, %div3A_47 : vector<4096x1xf32>
    %add3A_49 = arith.constant 9.99999974E-6 : f32
    %add3A_50 = vector.broadcast %add3A_49 : f32 to vector<4096x1xf32>
    %add3A_51 = arith.addf %div3A_48, %add3A_50 : vector<4096x1xf32>
    %rsqrt3A = math.rsqrt %add3A_51 : vector<4096x1xf32>
    %mul3A_52 = vector.broadcast %rsqrt3A : vector<4096x1xf32> to vector<4096x256xf32>
    %mul3A_53 = arith.mulf %sub3A_42, %mul3A_52 : vector<4096x256xf32>
    %get3A_54 = arith.constant 0 : index
    %get3A_55 = arith.constant 0 : index
    %get3A_56 = vector.load %arg10[%get3A_54, %get3A_55] : memref<1x256xf32, #tpu.memory_space<vmem>>, vector<1x256xf32>
    %mul3A_57 = vector.broadcast %get3A_56 : vector<1x256xf32> to vector<4096x256xf32>
    %mul3A_58 = arith.mulf %mul3A_53, %mul3A_57 : vector<4096x256xf32>
    %get3A_59 = arith.constant 0 : index
    %get3A_60 = arith.constant 0 : index
    %get3A_61 = vector.load %arg11[%get3A_59, %get3A_60] : memref<1x256xf32, #tpu.memory_space<vmem>>, vector<1x256xf32>
    %add3A_62 = vector.broadcast %get3A_61 : vector<1x256xf32> to vector<4096x256xf32>
    %add3A_63 = arith.addf %mul3A_58, %add3A_62 : vector<4096x256xf32>
    %swap3A = arith.constant 0 : index
    %swap3A_64 = arith.constant 0 : index
    %swap3A_65 = vector.load %arg12[%swap3A, %swap3A_64] : memref<4096x256xf32, #tpu.memory_space<vmem>>, vector<4096x256xf32>
    tpu.vector_store %arg12[%swap3A, %swap3A_64], %add3A_63 {strides = array<i32>} : memref<4096x256xf32, #tpu.memory_space<vmem>>, vector<4096x256xf32>,
    return
  }
  func.func @transform_0(%arg0: i32) -> (i32, i32) {
    %c0_i32 = arith.constant 0 : i32
    %c0_i32_0 = arith.constant 0 : i32
    %c0_i32_1 = arith.constant 0 : i32
    return %c0_i32, %c0_i32_0 : i32, i32
  }
  func.func @transform_1(%arg0: i32) -> (i32, i32) {
    %c0_i32 = arith.constant 0 : i32
    %c0_i32_0 = arith.constant 0 : i32
    return %arg0, %c0_i32 : i32, i32
  }
  func.func @transform_2(%arg0: i32) -> (i32, i32) {
    %c0_i32 = arith.constant 0 : i32
    %c0_i32_0 = arith.constant 0 : i32
    return %arg0, %c0_i32 : i32, i32
  }
  func.func @transform_3(%arg0: i32) -> (i32, i32, i32) {
    %add3A = arith.constant 2 : i32
    %add3A_0 = arith.addi %arg0, %add3A : i32
    %c0_i32 = arith.constant 0 : i32
    %c0_i32_1 = arith.constant 0 : i32
    %c0_i32_2 = arith.constant 0 : i32
    return %add3A_0, %c0_i32, %c0_i32_1 : i32, i32, i32
  }
  func.func @transform_4(%arg0: i32) -> (i32, i32) {
    %c0_i32 = arith.constant 0 : i32
    %c0_i32_0 = arith.constant 0 : i32
    %c0_i32_1 = arith.constant 0 : i32
    return %c0_i32, %c0_i32_0 : i32, i32
  }
  func.func @transform_5(%arg0: i32) -> (i32, i32) {
    %c0_i32 = arith.constant 0 : i32
    %c0_i32_0 = arith.constant 0 : i32
    %c0_i32_1 = arith.constant 0 : i32
    return %c0_i32, %c0_i32_0 : i32, i32
  }
  func.func @transform_6(%arg0: i32) -> (i32, i32) {
    %c1_i32 = arith.constant 1 : i32
    %c0_i32 = arith.constant 0 : i32
    %c0_i32_0 = arith.constant 0 : i32
    return %c1_i32, %c0_i32 : i32, i32
  }
  func.func @transform_7(%arg0: i32) -> (i32, i32) {
    %c8_i32 = arith.constant 8 : i32
    %c0_i32 = arith.constant 0 : i32
    %c0_i32_0 = arith.constant 0 : i32
    return %c8_i32, %c0_i32 : i32, i32
  }
  func.func @transform_8(%arg0: i32) -> (i32, i32) {
    %c0_i32 = arith.constant 0 : i32
    %c0_i32_0 = arith.constant 0 : i32
    %c0_i32_1 = arith.constant 0 : i32
    return %c0_i32, %c0_i32_0 : i32, i32
  }
  func.func @transform_9(%arg0: i32) -> (i32, i32) {
    %c0_i32 = arith.constant 0 : i32
    %c0_i32_0 = arith.constant 0 : i32
    %c0_i32_1 = arith.constant 0 : i32
    return %c0_i32, %c0_i32_0 : i32, i32
  }
  func.func @transform_10(%arg0: i32) -> (i32, i32) {
    %c0_i32 = arith.constant 0 : i32
    %c0_i32_0 = arith.constant 0 : i32
    %c0_i32_1 = arith.constant 0 : i32
    return %c0_i32, %c0_i32_0 : i32, i32
  }
  func.func @transform_11(%arg0: i32) -> (i32, i32) {
    %add3A = arith.constant 2 : i32
    %add3A_0 = arith.addi %arg0, %add3A : i32
    %c0_i32 = arith.constant 0 : i32
    %c0_i32_1 = arith.constant 0 : i32
    return %add3A_0, %c0_i32 : i32, i32
  }
}

module attributes {stable_mosaic.version = 14 : i64} {
  func.func @_tc_body_first(%arg0: i32, %arg1: memref<4096x128xf32, #tpu.memory_space<vmem>>, %arg2: memref<4096x128xf32, #tpu.memory_space<vmem>>, %arg3: memref<1x1x4096xi32, #tpu.memory_space<vmem>>, %arg4: memref<32x32xf32, #tpu.memory_space<vmem>>, %arg5: memref<128x256xf32, #tpu.memory_space<vmem>>, %arg6: memref<128x256xf32, #tpu.memory_space<vmem>>, %arg7: memref<32x256xf32, #tpu.memory_space<vmem>>, %arg8: memref<1x256xf32, #tpu.memory_space<vmem>>, %arg9: memref<1x256xf32, #tpu.memory_space<vmem>>, %arg10: memref<1x256xf32, #tpu.memory_space<vmem>>, %arg11: memref<4096x256xf32, #tpu.memory_space<vmem>>) attributes {dimension_semantics = [#tpu.dimension_semantics<arbitrary>], iteration_bounds = array<i64: 1>, scalar_prefetch = 0 : i64, scratch_operands = 0 : i64, tpu.core_type = #tpu.core_type<tc>, window_params = [{transform_indices = @transform_0, window_bounds = array<i64: 4096, 128>}, {transform_indices = @transform_1, window_bounds = array<i64: 4096, 128>}, {transform_indices = @transform_2, window_bounds = array<i64: 1, 1, 4096>}, {pipeline_mode = #tpu.pipeline_mode<synchronous>, transform_indices = @transform_3, window_bounds = array<i64: 32, 32>}, {transform_indices = @transform_4, window_bounds = array<i64: 128, 256>}, {transform_indices = @transform_5, window_bounds = array<i64: 128, 256>}, {transform_indices = @transform_6, window_bounds = array<i64: 32, 256>}, {pipeline_mode = #tpu.pipeline_mode<synchronous>, transform_indices = @transform_7, window_bounds = array<i64: 1, 256>}, {pipeline_mode = #tpu.pipeline_mode<synchronous>, transform_indices = @transform_8, window_bounds = array<i64: 1, 256>}, {pipeline_mode = #tpu.pipeline_mode<synchronous>, transform_indices = @transform_9, window_bounds = array<i64: 1, 256>}, {transform_indices = @transform_10, window_bounds = array<i64: 4096, 256>}]} {
    %get3A = arith.constant 0 : index
    %get3A_0 = arith.constant 0 : index
    %get3A_1 = vector.load %arg4[%get3A, %get3A_0] : memref<32x32xf32, #tpu.memory_space<vmem>>, vector<32x32xf32>
    %get3A_2 = arith.constant 0 : index
    %get3A_3 = arith.constant 0 : index
    %get3A_4 = vector.load %arg7[%get3A_2, %get3A_3] : memref<32x256xf32, #tpu.memory_space<vmem>>, vector<32x256xf32>
    %dot_general3A = arith.constant dense<0.000000e+00> : vector<32x256xf32>
    %dot_general3A_5 = tpu.matmul %get3A_1, %get3A_4, %dot_general3A {dimension_numbers = #tpu.dot_dimension_numbers<[1], [0], [0], [1], [0, 0, 1, 1], [], []>, transpose_lhs_hint = false} : vector<32x32xf32>, vector<32x256xf32>, vector<32x256xf32> -> vector<32x256xf32>
    %get3A_6 = arith.constant 0 : index
    %get3A_7 = arith.constant 0 : index
    %get3A_8 = arith.constant 0 : index
    %get3A_9 = vector.load %arg3[%get3A_6, %get3A_7, %get3A_8] : memref<1x1x4096xi32, #tpu.memory_space<vmem>>, vector<1x1x4096xi32>
    %get3A_10 = vector.shape_cast %get3A_9 : vector<1x1x4096xi32> to vector<4096xi32>
    %broadcast_in_dim3A = vector.shape_cast %get3A_10 : vector<4096xi32> to vector<4096x1xi32>
    %iota3A = tpu.iota {dimensions = array<i32: 1>} : vector<1x32xi32>
    %eq3A = vector.broadcast %broadcast_in_dim3A : vector<4096x1xi32> to vector<4096x32xi32>
    %eq3A_11 = vector.broadcast %iota3A : vector<1x32xi32> to vector<4096x32xi32>
    %eq3A_12 = arith.cmpi eq, %eq3A, %eq3A_11 : vector<4096x32xi32>
    %convert_element_type3A = arith.extui %eq3A_12 : vector<4096x32xi1> to vector<4096x32xi32>
    %convert_element_type3A_13 = arith.sitofp %convert_element_type3A : vector<4096x32xi32> to vector<4096x32xf32>
    %get3A_14 = arith.constant 0 : index
    %get3A_15 = arith.constant 0 : index
    %get3A_16 = vector.load %arg1[%get3A_14, %get3A_15] : memref<4096x128xf32, #tpu.memory_space<vmem>>, vector<4096x128xf32>
    %get3A_17 = arith.constant 0 : index
    %get3A_18 = arith.constant 0 : index
    %get3A_19 = vector.load %arg5[%get3A_17, %get3A_18] : memref<128x256xf32, #tpu.memory_space<vmem>>, vector<128x256xf32>
    %dot_general3A_20 = arith.constant dense<0.000000e+00> : vector<4096x256xf32>
    %dot_general3A_21 = tpu.matmul %get3A_16, %get3A_19, %dot_general3A_20 {dimension_numbers = #tpu.dot_dimension_numbers<[1], [0], [0], [1], [0, 0, 1, 1], [], []>, transpose_lhs_hint = false} : vector<4096x128xf32>, vector<128x256xf32>, vector<4096x256xf32> -> vector<4096x256xf32>
    %get3A_22 = arith.constant 0 : index
    %get3A_23 = arith.constant 0 : index
    %get3A_24 = vector.load %arg2[%get3A_22, %get3A_23] : memref<4096x128xf32, #tpu.memory_space<vmem>>, vector<4096x128xf32>
    %get3A_25 = arith.constant 0 : index
    %get3A_26 = arith.constant 0 : index
    %get3A_27 = vector.load %arg6[%get3A_25, %get3A_26] : memref<128x256xf32, #tpu.memory_space<vmem>>, vector<128x256xf32>
    %dot_general3A_28 = arith.constant dense<0.000000e+00> : vector<4096x256xf32>
    %dot_general3A_29 = tpu.matmul %get3A_24, %get3A_27, %dot_general3A_28 {dimension_numbers = #tpu.dot_dimension_numbers<[1], [0], [0], [1], [0, 0, 1, 1], [], []>, transpose_lhs_hint = false} : vector<4096x128xf32>, vector<128x256xf32>, vector<4096x256xf32> -> vector<4096x256xf32>
    %add3A = arith.addf %dot_general3A_21, %dot_general3A_29 : vector<4096x256xf32>
    %dot_general3A_30 = arith.constant dense<0.000000e+00> : vector<4096x256xf32>
    %dot_general3A_31 = tpu.matmul %convert_element_type3A_13, %dot_general3A_5, %dot_general3A_30 {dimension_numbers = #tpu.dot_dimension_numbers<[1], [0], [0], [1], [0, 0, 1, 1], [], []>, transpose_lhs_hint = false} : vector<4096x32xf32>, vector<32x256xf32>, vector<4096x256xf32> -> vector<4096x256xf32>
    %add3A_32 = arith.addf %add3A, %dot_general3A_31 : vector<4096x256xf32>
    %get3A_33 = arith.constant 0 : index
    %get3A_34 = arith.constant 0 : index
    %get3A_35 = vector.load %arg8[%get3A_33, %get3A_34] : memref<1x256xf32, #tpu.memory_space<vmem>>, vector<1x256xf32>
    %add3A_36 = vector.broadcast %get3A_35 : vector<1x256xf32> to vector<4096x256xf32>
    %add3A_37 = arith.addf %add3A_32, %add3A_36 : vector<4096x256xf32>
    %reduce_sum3A = arith.constant dense<0.000000e+00> : vector<4096xf32>
    %reduce_sum3A_38 = vector.multi_reduction <add>, %add3A_37, %reduce_sum3A [1] : vector<4096x256xf32> to vector<4096xf32>
    %broadcast_in_dim3A_39 = vector.shape_cast %reduce_sum3A_38 : vector<4096xf32> to vector<4096x1xf32>
    %div3A = arith.constant 2.560000e+02 : f32
    %div3A_40 = vector.broadcast %div3A : f32 to vector<4096x1xf32>
    %div3A_41 = arith.divf %broadcast_in_dim3A_39, %div3A_40 : vector<4096x1xf32>
    %sub3A = vector.broadcast %div3A_41 : vector<4096x1xf32> to vector<4096x256xf32>
    %sub3A_42 = arith.subf %add3A_37, %sub3A : vector<4096x256xf32>
    %mul3A = arith.mulf %sub3A_42, %sub3A_42 : vector<4096x256xf32>
    %reduce_sum3A_43 = arith.constant dense<0.000000e+00> : vector<4096xf32>
    %reduce_sum3A_44 = vector.multi_reduction <add>, %mul3A, %reduce_sum3A_43 [1] : vector<4096x256xf32> to vector<4096xf32>
    %broadcast_in_dim3A_45 = vector.shape_cast %reduce_sum3A_44 : vector<4096xf32> to vector<4096x1xf32>
    %div3A_46 = arith.constant 2.560000e+02 : f32
    %div3A_47 = vector.broadcast %div3A_46 : f32 to vector<4096x1xf32>
    %div3A_48 = arith.divf %broadcast_in_dim3A_45, %div3A_47 : vector<4096x1xf32>
    %add3A_49 = arith.constant 9.99999974E-6 : f32
    %add3A_50 = vector.broadcast %add3A_49 : f32 to vector<4096x1xf32>
    %add3A_51 = arith.addf %div3A_48, %add3A_50 : vector<4096x1xf32>
    %rsqrt3A = math.rsqrt %add3A_51 : vector<4096x1xf32>
    %mul3A_52 = vector.broadcast %rsqrt3A : vector<4096x1xf32> to vector<4096x256xf32>
    %mul3A_53 = arith.mulf %sub3A_42, %mul3A_52 : vector<4096x256xf32>
    %get3A_54 = arith.constant 0 : index
    %get3A_55 = arith.constant 0 : index
    %get3A_56 = vector.load %arg9[%get3A_54, %get3A_55] : memref<1x256xf32, #tpu.memory_space<vmem>>, vector<1x256xf32>
    %mul3A_57 = vector.broadcast %get3A_56 : vector<1x256xf32> to vector<4096x256xf32>
    %mul3A_58 = arith.mulf %mul3A_53, %mul3A_57 : vector<4096x256xf32>
    %get3A_59 = arith.constant 0 : index
    %get3A_60 = arith.constant 0 : index
    %get3A_61 = vector.load %arg10[%get3A_59, %get3A_60] : memref<1x256xf32, #tpu.memory_space<vmem>>, vector<1x256xf32>
    %add3A_62 = vector.broadcast %get3A_61 : vector<1x256xf32> to vector<4096x256xf32>
    %add3A_63 = arith.addf %mul3A_58, %add3A_62 : vector<4096x256xf32>
    %swap3A = arith.constant 0 : index
    %swap3A_64 = arith.constant 0 : index
    %swap3A_65 = vector.load %arg11[%swap3A, %swap3A_64] : memref<4096x256xf32, #tpu.memory_space<vmem>>, vector<4096x256xf32>
    tpu.vector_store %arg11[%swap3A, %swap3A_64], %add3A_63 {strides = array<i32>} : memref<4096x256xf32, #tpu.memory_space<vmem>>, vector<4096x256xf32>,
    return
  }
  func.func @transform_0(%arg0: i32) -> (i32, i32) {
    %c0_i32 = arith.constant 0 : i32
    %c0_i32_0 = arith.constant 0 : i32
    return %arg0, %c0_i32 : i32, i32
  }
  func.func @transform_1(%arg0: i32) -> (i32, i32) {
    %c0_i32 = arith.constant 0 : i32
    %c0_i32_0 = arith.constant 0 : i32
    return %arg0, %c0_i32 : i32, i32
  }
  func.func @transform_2(%arg0: i32) -> (i32, i32, i32) {
    %add3A = arith.constant 0 : i32
    %add3A_0 = arith.addi %arg0, %add3A : i32
    %c0_i32 = arith.constant 0 : i32
    %c0_i32_1 = arith.constant 0 : i32
    %c0_i32_2 = arith.constant 0 : i32
    return %add3A_0, %c0_i32, %c0_i32_1 : i32, i32, i32
  }
  func.func @transform_3(%arg0: i32) -> (i32, i32) {
    %c0_i32 = arith.constant 0 : i32
    %c0_i32_0 = arith.constant 0 : i32
    %c0_i32_1 = arith.constant 0 : i32
    return %c0_i32, %c0_i32_0 : i32, i32
  }
  func.func @transform_4(%arg0: i32) -> (i32, i32) {
    %c0_i32 = arith.constant 0 : i32
    %c0_i32_0 = arith.constant 0 : i32
    %c0_i32_1 = arith.constant 0 : i32
    return %c0_i32, %c0_i32_0 : i32, i32
  }
  func.func @transform_5(%arg0: i32) -> (i32, i32) {
    %c1_i32 = arith.constant 1 : i32
    %c0_i32 = arith.constant 0 : i32
    %c0_i32_0 = arith.constant 0 : i32
    return %c1_i32, %c0_i32 : i32, i32
  }
  func.func @transform_6(%arg0: i32) -> (i32, i32) {
    %c8_i32 = arith.constant 8 : i32
    %c0_i32 = arith.constant 0 : i32
    %c0_i32_0 = arith.constant 0 : i32
    return %c8_i32, %c0_i32 : i32, i32
  }
  func.func @transform_7(%arg0: i32) -> (i32, i32) {
    %c0_i32 = arith.constant 0 : i32
    %c0_i32_0 = arith.constant 0 : i32
    %c0_i32_1 = arith.constant 0 : i32
    return %c0_i32, %c0_i32_0 : i32, i32
  }
  func.func @transform_8(%arg0: i32) -> (i32, i32) {
    %c0_i32 = arith.constant 0 : i32
    %c0_i32_0 = arith.constant 0 : i32
    %c0_i32_1 = arith.constant 0 : i32
    return %c0_i32, %c0_i32_0 : i32, i32
  }
  func.func @transform_9(%arg0: i32) -> (i32, i32) {
    %c0_i32 = arith.constant 0 : i32
    %c0_i32_0 = arith.constant 0 : i32
    %c0_i32_1 = arith.constant 0 : i32
    return %c0_i32, %c0_i32_0 : i32, i32
  }
  func.func @transform_10(%arg0: i32) -> (i32, i32) {
    %c0_i32 = arith.constant 0 : i32
    %c0_i32_0 = arith.constant 0 : i32
    return %arg0, %c0_i32 : i32, i32
  }
}

module attributes {stable_mosaic.version = 14 : i64} {
  func.func @_tc_body_second(%arg0: i32, %arg1: memref<8x256xf32, #tpu.memory_space<vmem>>, %arg2: memref<4096x128xf32, #tpu.memory_space<vmem>>, %arg3: memref<4096x128xf32, #tpu.memory_space<vmem>>, %arg4: memref<1x1x4096xi32, #tpu.memory_space<vmem>>, %arg5: memref<32x32xf32, #tpu.memory_space<vmem>>, %arg6: memref<128x256xf32, #tpu.memory_space<vmem>>, %arg7: memref<128x256xf32, #tpu.memory_space<vmem>>, %arg8: memref<32x256xf32, #tpu.memory_space<vmem>>, %arg9: memref<1x256xf32, #tpu.memory_space<vmem>>, %arg10: memref<1x256xf32, #tpu.memory_space<vmem>>, %arg11: memref<1x256xf32, #tpu.memory_space<vmem>>, %arg12: memref<4096x256xf32, #tpu.memory_space<vmem>>) attributes {dimension_semantics = [#tpu.dimension_semantics<arbitrary>], iteration_bounds = array<i64: 1>, scalar_prefetch = 0 : i64, scratch_operands = 0 : i64, tpu.core_type = #tpu.core_type<tc>, window_params = [{transform_indices = @transform_0, window_bounds = array<i64: 8, 256>}, {transform_indices = @transform_1, window_bounds = array<i64: 4096, 128>}, {transform_indices = @transform_2, window_bounds = array<i64: 4096, 128>}, {transform_indices = @transform_3, window_bounds = array<i64: 1, 1, 4096>}, {pipeline_mode = #tpu.pipeline_mode<synchronous>, transform_indices = @transform_4, window_bounds = array<i64: 32, 32>}, {transform_indices = @transform_5, window_bounds = array<i64: 128, 256>}, {transform_indices = @transform_6, window_bounds = array<i64: 128, 256>}, {transform_indices = @transform_7, window_bounds = array<i64: 32, 256>}, {pipeline_mode = #tpu.pipeline_mode<synchronous>, transform_indices = @transform_8, window_bounds = array<i64: 1, 256>}, {pipeline_mode = #tpu.pipeline_mode<synchronous>, transform_indices = @transform_9, window_bounds = array<i64: 1, 256>}, {pipeline_mode = #tpu.pipeline_mode<synchronous>, transform_indices = @transform_10, window_bounds = array<i64: 1, 256>}, {transform_indices = @transform_11, window_bounds = array<i64: 4096, 256>}]} {
    %get3A = arith.constant 0 : index
    %get3A_0 = arith.constant 0 : index
    %get3A_1 = vector.load %arg5[%get3A, %get3A_0] : memref<32x32xf32, #tpu.memory_space<vmem>>, vector<32x32xf32>
    %get3A_2 = arith.constant 0 : index
    %get3A_3 = arith.constant 0 : index
    %get3A_4 = vector.load %arg8[%get3A_2, %get3A_3] : memref<32x256xf32, #tpu.memory_space<vmem>>, vector<32x256xf32>
    %dot_general3A = arith.constant dense<0.000000e+00> : vector<32x256xf32>
    %dot_general3A_5 = tpu.matmul %get3A_1, %get3A_4, %dot_general3A {dimension_numbers = #tpu.dot_dimension_numbers<[1], [0], [0], [1], [0, 0, 1, 1], [], []>, transpose_lhs_hint = false} : vector<32x32xf32>, vector<32x256xf32>, vector<32x256xf32> -> vector<32x256xf32>
    %get3A_6 = arith.constant 0 : index
    %get3A_7 = arith.constant 0 : index
    %get3A_8 = arith.constant 0 : index
    %get3A_9 = vector.load %arg4[%get3A_6, %get3A_7, %get3A_8] : memref<1x1x4096xi32, #tpu.memory_space<vmem>>, vector<1x1x4096xi32>
    %get3A_10 = vector.shape_cast %get3A_9 : vector<1x1x4096xi32> to vector<4096xi32>
    %broadcast_in_dim3A = vector.shape_cast %get3A_10 : vector<4096xi32> to vector<4096x1xi32>
    %iota3A = tpu.iota {dimensions = array<i32: 1>} : vector<1x32xi32>
    %eq3A = vector.broadcast %broadcast_in_dim3A : vector<4096x1xi32> to vector<4096x32xi32>
    %eq3A_11 = vector.broadcast %iota3A : vector<1x32xi32> to vector<4096x32xi32>
    %eq3A_12 = arith.cmpi eq, %eq3A, %eq3A_11 : vector<4096x32xi32>
    %convert_element_type3A = arith.extui %eq3A_12 : vector<4096x32xi1> to vector<4096x32xi32>
    %convert_element_type3A_13 = arith.sitofp %convert_element_type3A : vector<4096x32xi32> to vector<4096x32xf32>
    %get3A_14 = arith.constant 0 : index
    %get3A_15 = arith.constant 0 : index
    %get3A_16 = vector.load %arg2[%get3A_14, %get3A_15] : memref<4096x128xf32, #tpu.memory_space<vmem>>, vector<4096x128xf32>
    %get3A_17 = arith.constant 0 : index
    %get3A_18 = arith.constant 0 : index
    %get3A_19 = vector.load %arg6[%get3A_17, %get3A_18] : memref<128x256xf32, #tpu.memory_space<vmem>>, vector<128x256xf32>
    %dot_general3A_20 = arith.constant dense<0.000000e+00> : vector<4096x256xf32>
    %dot_general3A_21 = tpu.matmul %get3A_16, %get3A_19, %dot_general3A_20 {dimension_numbers = #tpu.dot_dimension_numbers<[1], [0], [0], [1], [0, 0, 1, 1], [], []>, transpose_lhs_hint = false} : vector<4096x128xf32>, vector<128x256xf32>, vector<4096x256xf32> -> vector<4096x256xf32>
    %get3A_22 = arith.constant 0 : index
    %get3A_23 = arith.constant 0 : index
    %get3A_24 = vector.load %arg3[%get3A_22, %get3A_23] : memref<4096x128xf32, #tpu.memory_space<vmem>>, vector<4096x128xf32>
    %get3A_25 = arith.constant 0 : index
    %get3A_26 = arith.constant 0 : index
    %get3A_27 = vector.load %arg7[%get3A_25, %get3A_26] : memref<128x256xf32, #tpu.memory_space<vmem>>, vector<128x256xf32>
    %dot_general3A_28 = arith.constant dense<0.000000e+00> : vector<4096x256xf32>
    %dot_general3A_29 = tpu.matmul %get3A_24, %get3A_27, %dot_general3A_28 {dimension_numbers = #tpu.dot_dimension_numbers<[1], [0], [0], [1], [0, 0, 1, 1], [], []>, transpose_lhs_hint = false} : vector<4096x128xf32>, vector<128x256xf32>, vector<4096x256xf32> -> vector<4096x256xf32>
    %add3A = arith.addf %dot_general3A_21, %dot_general3A_29 : vector<4096x256xf32>
    %dot_general3A_30 = arith.constant dense<0.000000e+00> : vector<4096x256xf32>
    %dot_general3A_31 = tpu.matmul %convert_element_type3A_13, %dot_general3A_5, %dot_general3A_30 {dimension_numbers = #tpu.dot_dimension_numbers<[1], [0], [0], [1], [0, 0, 1, 1], [], []>, transpose_lhs_hint = false} : vector<4096x32xf32>, vector<32x256xf32>, vector<4096x256xf32> -> vector<4096x256xf32>
    %add3A_32 = arith.addf %add3A, %dot_general3A_31 : vector<4096x256xf32>
    %get3A_33 = arith.constant 0 : index
    %get3A_34 = arith.constant 0 : index
    %get3A_35 = vector.load %arg9[%get3A_33, %get3A_34] : memref<1x256xf32, #tpu.memory_space<vmem>>, vector<1x256xf32>
    %add3A_36 = vector.broadcast %get3A_35 : vector<1x256xf32> to vector<4096x256xf32>
    %add3A_37 = arith.addf %add3A_32, %add3A_36 : vector<4096x256xf32>
    %reduce_sum3A = arith.constant dense<0.000000e+00> : vector<4096xf32>
    %reduce_sum3A_38 = vector.multi_reduction <add>, %add3A_37, %reduce_sum3A [1] : vector<4096x256xf32> to vector<4096xf32>
    %broadcast_in_dim3A_39 = vector.shape_cast %reduce_sum3A_38 : vector<4096xf32> to vector<4096x1xf32>
    %div3A = arith.constant 2.560000e+02 : f32
    %div3A_40 = vector.broadcast %div3A : f32 to vector<4096x1xf32>
    %div3A_41 = arith.divf %broadcast_in_dim3A_39, %div3A_40 : vector<4096x1xf32>
    %sub3A = vector.broadcast %div3A_41 : vector<4096x1xf32> to vector<4096x256xf32>
    %sub3A_42 = arith.subf %add3A_37, %sub3A : vector<4096x256xf32>
    %mul3A = arith.mulf %sub3A_42, %sub3A_42 : vector<4096x256xf32>
    %reduce_sum3A_43 = arith.constant dense<0.000000e+00> : vector<4096xf32>
    %reduce_sum3A_44 = vector.multi_reduction <add>, %mul3A, %reduce_sum3A_43 [1] : vector<4096x256xf32> to vector<4096xf32>
    %broadcast_in_dim3A_45 = vector.shape_cast %reduce_sum3A_44 : vector<4096xf32> to vector<4096x1xf32>
    %div3A_46 = arith.constant 2.560000e+02 : f32
    %div3A_47 = vector.broadcast %div3A_46 : f32 to vector<4096x1xf32>
    %div3A_48 = arith.divf %broadcast_in_dim3A_45, %div3A_47 : vector<4096x1xf32>
    %add3A_49 = arith.constant 9.99999974E-6 : f32
    %add3A_50 = vector.broadcast %add3A_49 : f32 to vector<4096x1xf32>
    %add3A_51 = arith.addf %div3A_48, %add3A_50 : vector<4096x1xf32>
    %rsqrt3A = math.rsqrt %add3A_51 : vector<4096x1xf32>
    %mul3A_52 = vector.broadcast %rsqrt3A : vector<4096x1xf32> to vector<4096x256xf32>
    %mul3A_53 = arith.mulf %sub3A_42, %mul3A_52 : vector<4096x256xf32>
    %get3A_54 = arith.constant 0 : index
    %get3A_55 = arith.constant 0 : index
    %get3A_56 = vector.load %arg10[%get3A_54, %get3A_55] : memref<1x256xf32, #tpu.memory_space<vmem>>, vector<1x256xf32>
    %mul3A_57 = vector.broadcast %get3A_56 : vector<1x256xf32> to vector<4096x256xf32>
    %mul3A_58 = arith.mulf %mul3A_53, %mul3A_57 : vector<4096x256xf32>
    %get3A_59 = arith.constant 0 : index
    %get3A_60 = arith.constant 0 : index
    %get3A_61 = vector.load %arg11[%get3A_59, %get3A_60] : memref<1x256xf32, #tpu.memory_space<vmem>>, vector<1x256xf32>
    %add3A_62 = vector.broadcast %get3A_61 : vector<1x256xf32> to vector<4096x256xf32>
    %add3A_63 = arith.addf %mul3A_58, %add3A_62 : vector<4096x256xf32>
    %swap3A = arith.constant 0 : index
    %swap3A_64 = arith.constant 0 : index
    %swap3A_65 = vector.load %arg12[%swap3A, %swap3A_64] : memref<4096x256xf32, #tpu.memory_space<vmem>>, vector<4096x256xf32>
    tpu.vector_store %arg12[%swap3A, %swap3A_64], %add3A_63 {strides = array<i32>} : memref<4096x256xf32, #tpu.memory_space<vmem>>, vector<4096x256xf32>,
    return
  }
  func.func @transform_0(%arg0: i32) -> (i32, i32) {
    %c0_i32 = arith.constant 0 : i32
    %c0_i32_0 = arith.constant 0 : i32
    %c0_i32_1 = arith.constant 0 : i32
    return %c0_i32, %c0_i32_0 : i32, i32
  }
  func.func @transform_1(%arg0: i32) -> (i32, i32) {
    %c0_i32 = arith.constant 0 : i32
    %c0_i32_0 = arith.constant 0 : i32
    return %arg0, %c0_i32 : i32, i32
  }
  func.func @transform_2(%arg0: i32) -> (i32, i32) {
    %c0_i32 = arith.constant 0 : i32
    %c0_i32_0 = arith.constant 0 : i32
    return %arg0, %c0_i32 : i32, i32
  }
  func.func @transform_3(%arg0: i32) -> (i32, i32, i32) {
    %add3A = arith.constant 1 : i32
    %add3A_0 = arith.addi %arg0, %add3A : i32
    %c0_i32 = arith.constant 0 : i32
    %c0_i32_1 = arith.constant 0 : i32
    %c0_i32_2 = arith.constant 0 : i32
    return %add3A_0, %c0_i32, %c0_i32_1 : i32, i32, i32
  }
  func.func @transform_4(%arg0: i32) -> (i32, i32) {
    %c0_i32 = arith.constant 0 : i32
    %c0_i32_0 = arith.constant 0 : i32
    %c0_i32_1 = arith.constant 0 : i32
    return %c0_i32, %c0_i32_0 : i32, i32
  }
  func.func @transform_5(%arg0: i32) -> (i32, i32) {
    %c0_i32 = arith.constant 0 : i32
    %c0_i32_0 = arith.constant 0 : i32
    %c0_i32_1 = arith.constant 0 : i32
    return %c0_i32, %c0_i32_0 : i32, i32
  }
  func.func @transform_6(%arg0: i32) -> (i32, i32) {
    %c1_i32 = arith.constant 1 : i32
    %c0_i32 = arith.constant 0 : i32
    %c0_i32_0 = arith.constant 0 : i32
    return %c1_i32, %c0_i32 : i32, i32
  }
  func.func @transform_7(%arg0: i32) -> (i32, i32) {
    %c8_i32 = arith.constant 8 : i32
    %c0_i32 = arith.constant 0 : i32
    %c0_i32_0 = arith.constant 0 : i32
    return %c8_i32, %c0_i32 : i32, i32
  }
  func.func @transform_8(%arg0: i32) -> (i32, i32) {
    %c0_i32 = arith.constant 0 : i32
    %c0_i32_0 = arith.constant 0 : i32
    %c0_i32_1 = arith.constant 0 : i32
    return %c0_i32, %c0_i32_0 : i32, i32
  }
  func.func @transform_9(%arg0: i32) -> (i32, i32) {
    %c0_i32 = arith.constant 0 : i32
    %c0_i32_0 = arith.constant 0 : i32
    %c0_i32_1 = arith.constant 0 : i32
    return %c0_i32, %c0_i32_0 : i32, i32
  }
  func.func @transform_10(%arg0: i32) -> (i32, i32) {
    %c0_i32 = arith.constant 0 : i32
    %c0_i32_0 = arith.constant 0 : i32
    %c0_i32_1 = arith.constant 0 : i32
    return %c0_i32, %c0_i32_0 : i32, i32
  }
  func.func @transform_11(%arg0: i32) -> (i32, i32) {
    %add3A = arith.constant 1 : i32
    %add3A_0 = arith.addi %arg0, %add3A : i32
    %c0_i32 = arith.constant 0 : i32
    %c0_i32_1 = arith.constant 0 : i32
    return %add3A_0, %c0_i32 : i32, i32
  }
}

module attributes {stable_mosaic.version = 14 : i64} {
  func.func @_tc_body_second(%arg0: i32, %arg1: memref<8x256xf32, #tpu.memory_space<vmem>>, %arg2: memref<4096x128xf32, #tpu.memory_space<vmem>>, %arg3: memref<4096x128xf32, #tpu.memory_space<vmem>>, %arg4: memref<1x1x4096xi32, #tpu.memory_space<vmem>>, %arg5: memref<32x32xf32, #tpu.memory_space<vmem>>, %arg6: memref<128x256xf32, #tpu.memory_space<vmem>>, %arg7: memref<128x256xf32, #tpu.memory_space<vmem>>, %arg8: memref<32x256xf32, #tpu.memory_space<vmem>>, %arg9: memref<1x256xf32, #tpu.memory_space<vmem>>, %arg10: memref<1x256xf32, #tpu.memory_space<vmem>>, %arg11: memref<1x256xf32, #tpu.memory_space<vmem>>, %arg12: memref<4096x256xf32, #tpu.memory_space<vmem>>) attributes {dimension_semantics = [#tpu.dimension_semantics<arbitrary>], iteration_bounds = array<i64: 1>, scalar_prefetch = 0 : i64, scratch_operands = 0 : i64, tpu.core_type = #tpu.core_type<tc>, window_params = [{transform_indices = @transform_0, window_bounds = array<i64: 8, 256>}, {transform_indices = @transform_1, window_bounds = array<i64: 4096, 128>}, {transform_indices = @transform_2, window_bounds = array<i64: 4096, 128>}, {transform_indices = @transform_3, window_bounds = array<i64: 1, 1, 4096>}, {pipeline_mode = #tpu.pipeline_mode<synchronous>, transform_indices = @transform_4, window_bounds = array<i64: 32, 32>}, {transform_indices = @transform_5, window_bounds = array<i64: 128, 256>}, {transform_indices = @transform_6, window_bounds = array<i64: 128, 256>}, {transform_indices = @transform_7, window_bounds = array<i64: 32, 256>}, {pipeline_mode = #tpu.pipeline_mode<synchronous>, transform_indices = @transform_8, window_bounds = array<i64: 1, 256>}, {pipeline_mode = #tpu.pipeline_mode<synchronous>, transform_indices = @transform_9, window_bounds = array<i64: 1, 256>}, {pipeline_mode = #tpu.pipeline_mode<synchronous>, transform_indices = @transform_10, window_bounds = array<i64: 1, 256>}, {transform_indices = @transform_11, window_bounds = array<i64: 4096, 256>}]} {
    %get3A = arith.constant 0 : index
    %get3A_0 = arith.constant 0 : index
    %get3A_1 = vector.load %arg5[%get3A, %get3A_0] : memref<32x32xf32, #tpu.memory_space<vmem>>, vector<32x32xf32>
    %get3A_2 = arith.constant 0 : index
    %get3A_3 = arith.constant 0 : index
    %get3A_4 = vector.load %arg8[%get3A_2, %get3A_3] : memref<32x256xf32, #tpu.memory_space<vmem>>, vector<32x256xf32>
    %dot_general3A = arith.constant dense<0.000000e+00> : vector<32x256xf32>
    %dot_general3A_5 = tpu.matmul %get3A_1, %get3A_4, %dot_general3A {dimension_numbers = #tpu.dot_dimension_numbers<[1], [0], [0], [1], [0, 0, 1, 1], [], []>, transpose_lhs_hint = false} : vector<32x32xf32>, vector<32x256xf32>, vector<32x256xf32> -> vector<32x256xf32>
    %get3A_6 = arith.constant 0 : index
    %get3A_7 = arith.constant 0 : index
    %get3A_8 = arith.constant 0 : index
    %get3A_9 = vector.load %arg4[%get3A_6, %get3A_7, %get3A_8] : memref<1x1x4096xi32, #tpu.memory_space<vmem>>, vector<1x1x4096xi32>
    %get3A_10 = vector.shape_cast %get3A_9 : vector<1x1x4096xi32> to vector<4096xi32>
    %broadcast_in_dim3A = vector.shape_cast %get3A_10 : vector<4096xi32> to vector<4096x1xi32>
    %iota3A = tpu.iota {dimensions = array<i32: 1>} : vector<1x32xi32>
    %eq3A = vector.broadcast %broadcast_in_dim3A : vector<4096x1xi32> to vector<4096x32xi32>
    %eq3A_11 = vector.broadcast %iota3A : vector<1x32xi32> to vector<4096x32xi32>
    %eq3A_12 = arith.cmpi eq, %eq3A, %eq3A_11 : vector<4096x32xi32>
    %convert_element_type3A = arith.extui %eq3A_12 : vector<4096x32xi1> to vector<4096x32xi32>
    %convert_element_type3A_13 = arith.sitofp %convert_element_type3A : vector<4096x32xi32> to vector<4096x32xf32>
    %get3A_14 = arith.constant 0 : index
    %get3A_15 = arith.constant 0 : index
    %get3A_16 = vector.load %arg2[%get3A_14, %get3A_15] : memref<4096x128xf32, #tpu.memory_space<vmem>>, vector<4096x128xf32>
    %get3A_17 = arith.constant 0 : index
    %get3A_18 = arith.constant 0 : index
    %get3A_19 = vector.load %arg6[%get3A_17, %get3A_18] : memref<128x256xf32, #tpu.memory_space<vmem>>, vector<128x256xf32>
    %dot_general3A_20 = arith.constant dense<0.000000e+00> : vector<4096x256xf32>
    %dot_general3A_21 = tpu.matmul %get3A_16, %get3A_19, %dot_general3A_20 {dimension_numbers = #tpu.dot_dimension_numbers<[1], [0], [0], [1], [0, 0, 1, 1], [], []>, transpose_lhs_hint = false} : vector<4096x128xf32>, vector<128x256xf32>, vector<4096x256xf32> -> vector<4096x256xf32>
    %get3A_22 = arith.constant 0 : index
    %get3A_23 = arith.constant 0 : index
    %get3A_24 = vector.load %arg3[%get3A_22, %get3A_23] : memref<4096x128xf32, #tpu.memory_space<vmem>>, vector<4096x128xf32>
    %get3A_25 = arith.constant 0 : index
    %get3A_26 = arith.constant 0 : index
    %get3A_27 = vector.load %arg7[%get3A_25, %get3A_26] : memref<128x256xf32, #tpu.memory_space<vmem>>, vector<128x256xf32>
    %dot_general3A_28 = arith.constant dense<0.000000e+00> : vector<4096x256xf32>
    %dot_general3A_29 = tpu.matmul %get3A_24, %get3A_27, %dot_general3A_28 {dimension_numbers = #tpu.dot_dimension_numbers<[1], [0], [0], [1], [0, 0, 1, 1], [], []>, transpose_lhs_hint = false} : vector<4096x128xf32>, vector<128x256xf32>, vector<4096x256xf32> -> vector<4096x256xf32>
    %add3A = arith.addf %dot_general3A_21, %dot_general3A_29 : vector<4096x256xf32>
    %dot_general3A_30 = arith.constant dense<0.000000e+00> : vector<4096x256xf32>
    %dot_general3A_31 = tpu.matmul %convert_element_type3A_13, %dot_general3A_5, %dot_general3A_30 {dimension_numbers = #tpu.dot_dimension_numbers<[1], [0], [0], [1], [0, 0, 1, 1], [], []>, transpose_lhs_hint = false} : vector<4096x32xf32>, vector<32x256xf32>, vector<4096x256xf32> -> vector<4096x256xf32>
    %add3A_32 = arith.addf %add3A, %dot_general3A_31 : vector<4096x256xf32>
    %get3A_33 = arith.constant 0 : index
    %get3A_34 = arith.constant 0 : index
    %get3A_35 = vector.load %arg9[%get3A_33, %get3A_34] : memref<1x256xf32, #tpu.memory_space<vmem>>, vector<1x256xf32>
    %add3A_36 = vector.broadcast %get3A_35 : vector<1x256xf32> to vector<4096x256xf32>
    %add3A_37 = arith.addf %add3A_32, %add3A_36 : vector<4096x256xf32>
    %reduce_sum3A = arith.constant dense<0.000000e+00> : vector<4096xf32>
    %reduce_sum3A_38 = vector.multi_reduction <add>, %add3A_37, %reduce_sum3A [1] : vector<4096x256xf32> to vector<4096xf32>
    %broadcast_in_dim3A_39 = vector.shape_cast %reduce_sum3A_38 : vector<4096xf32> to vector<4096x1xf32>
    %div3A = arith.constant 2.560000e+02 : f32
    %div3A_40 = vector.broadcast %div3A : f32 to vector<4096x1xf32>
    %div3A_41 = arith.divf %broadcast_in_dim3A_39, %div3A_40 : vector<4096x1xf32>
    %sub3A = vector.broadcast %div3A_41 : vector<4096x1xf32> to vector<4096x256xf32>
    %sub3A_42 = arith.subf %add3A_37, %sub3A : vector<4096x256xf32>
    %mul3A = arith.mulf %sub3A_42, %sub3A_42 : vector<4096x256xf32>
    %reduce_sum3A_43 = arith.constant dense<0.000000e+00> : vector<4096xf32>
    %reduce_sum3A_44 = vector.multi_reduction <add>, %mul3A, %reduce_sum3A_43 [1] : vector<4096x256xf32> to vector<4096xf32>
    %broadcast_in_dim3A_45 = vector.shape_cast %reduce_sum3A_44 : vector<4096xf32> to vector<4096x1xf32>
    %div3A_46 = arith.constant 2.560000e+02 : f32
    %div3A_47 = vector.broadcast %div3A_46 : f32 to vector<4096x1xf32>
    %div3A_48 = arith.divf %broadcast_in_dim3A_45, %div3A_47 : vector<4096x1xf32>
    %add3A_49 = arith.constant 9.99999974E-6 : f32
    %add3A_50 = vector.broadcast %add3A_49 : f32 to vector<4096x1xf32>
    %add3A_51 = arith.addf %div3A_48, %add3A_50 : vector<4096x1xf32>
    %rsqrt3A = math.rsqrt %add3A_51 : vector<4096x1xf32>
    %mul3A_52 = vector.broadcast %rsqrt3A : vector<4096x1xf32> to vector<4096x256xf32>
    %mul3A_53 = arith.mulf %sub3A_42, %mul3A_52 : vector<4096x256xf32>
    %get3A_54 = arith.constant 0 : index
    %get3A_55 = arith.constant 0 : index
    %get3A_56 = vector.load %arg10[%get3A_54, %get3A_55] : memref<1x256xf32, #tpu.memory_space<vmem>>, vector<1x256xf32>
    %mul3A_57 = vector.broadcast %get3A_56 : vector<1x256xf32> to vector<4096x256xf32>
    %mul3A_58 = arith.mulf %mul3A_53, %mul3A_57 : vector<4096x256xf32>
    %get3A_59 = arith.constant 0 : index
    %get3A_60 = arith.constant 0 : index
    %get3A_61 = vector.load %arg11[%get3A_59, %get3A_60] : memref<1x256xf32, #tpu.memory_space<vmem>>, vector<1x256xf32>
    %add3A_62 = vector.broadcast %get3A_61 : vector<1x256xf32> to vector<4096x256xf32>
    %add3A_63 = arith.addf %mul3A_58, %add3A_62 : vector<4096x256xf32>
    %swap3A = arith.constant 0 : index
    %swap3A_64 = arith.constant 0 : index
    %swap3A_65 = vector.load %arg12[%swap3A, %swap3A_64] : memref<4096x256xf32, #tpu.memory_space<vmem>>, vector<4096x256xf32>
    tpu.vector_store %arg12[%swap3A, %swap3A_64], %add3A_63 {strides = array<i32>} : memref<4096x256xf32, #tpu.memory_space<vmem>>, vector<4096x256xf32>,
    return
  }
  func.func @transform_0(%arg0: i32) -> (i32, i32) {
    %c0_i32 = arith.constant 0 : i32
    %c0_i32_0 = arith.constant 0 : i32
    %c0_i32_1 = arith.constant 0 : i32
    return %c0_i32, %c0_i32_0 : i32, i32
  }
  func.func @transform_1(%arg0: i32) -> (i32, i32) {
    %c0_i32 = arith.constant 0 : i32
    %c0_i32_0 = arith.constant 0 : i32
    return %arg0, %c0_i32 : i32, i32
  }
  func.func @transform_2(%arg0: i32) -> (i32, i32) {
    %c0_i32 = arith.constant 0 : i32
    %c0_i32_0 = arith.constant 0 : i32
    return %arg0, %c0_i32 : i32, i32
  }
  func.func @transform_3(%arg0: i32) -> (i32, i32, i32) {
    %add3A = arith.constant 3 : i32
    %add3A_0 = arith.addi %arg0, %add3A : i32
    %c0_i32 = arith.constant 0 : i32
    %c0_i32_1 = arith.constant 0 : i32
    %c0_i32_2 = arith.constant 0 : i32
    return %add3A_0, %c0_i32, %c0_i32_1 : i32, i32, i32
  }
  func.func @transform_4(%arg0: i32) -> (i32, i32) {
    %c0_i32 = arith.constant 0 : i32
    %c0_i32_0 = arith.constant 0 : i32
    %c0_i32_1 = arith.constant 0 : i32
    return %c0_i32, %c0_i32_0 : i32, i32
  }
  func.func @transform_5(%arg0: i32) -> (i32, i32) {
    %c0_i32 = arith.constant 0 : i32
    %c0_i32_0 = arith.constant 0 : i32
    %c0_i32_1 = arith.constant 0 : i32
    return %c0_i32, %c0_i32_0 : i32, i32
  }
  func.func @transform_6(%arg0: i32) -> (i32, i32) {
    %c1_i32 = arith.constant 1 : i32
    %c0_i32 = arith.constant 0 : i32
    %c0_i32_0 = arith.constant 0 : i32
    return %c1_i32, %c0_i32 : i32, i32
  }
  func.func @transform_7(%arg0: i32) -> (i32, i32) {
    %c8_i32 = arith.constant 8 : i32
    %c0_i32 = arith.constant 0 : i32
    %c0_i32_0 = arith.constant 0 : i32
    return %c8_i32, %c0_i32 : i32, i32
  }
  func.func @transform_8(%arg0: i32) -> (i32, i32) {
    %c0_i32 = arith.constant 0 : i32
    %c0_i32_0 = arith.constant 0 : i32
    %c0_i32_1 = arith.constant 0 : i32
    return %c0_i32, %c0_i32_0 : i32, i32
  }
  func.func @transform_9(%arg0: i32) -> (i32, i32) {
    %c0_i32 = arith.constant 0 : i32
    %c0_i32_0 = arith.constant 0 : i32
    %c0_i32_1 = arith.constant 0 : i32
    return %c0_i32, %c0_i32_0 : i32, i32
  }
  func.func @transform_10(%arg0: i32) -> (i32, i32) {
    %c0_i32 = arith.constant 0 : i32
    %c0_i32_0 = arith.constant 0 : i32
    %c0_i32_1 = arith.constant 0 : i32
    return %c0_i32, %c0_i32_0 : i32, i32
  }
  func.func @transform_11(%arg0: i32) -> (i32, i32) {
    %add3A = arith.constant 3 : i32
    %add3A_0 = arith.addi %arg0, %add3A : i32
    %c0_i32 = arith.constant 0 : i32
    %c0_i32_1 = arith.constant 0 : i32
    return %add3A_0, %c0_i32 : i32, i32
  }
}

</mosaic_0001>

<sc_bundles>
// kernel: kernel.10.cloned.1.call-start
scs
__scs_entry_jumppad:
0x0: {  	(pc) =	sbr.rel $0x88, $3  }
0x1: {  	(tag) =	ssettag $0x0;
	lr =	simm.s32 $0x1  }
0x2: {  	[smem:$0x3F97] =	sst lr;
	_ =	strace $0xD0000000  }
0x3: {  	_ = 	snop  }
0x4: {  	_ = 	snop  }
0x5: {  	_ = 	snop  }
0x6: {  	_ = 	snop  }
0x7: {  	_ = 	snop  }
__scs_overlays_trampoline_lowered:
0x8: {  	[smem:$0x3FA6] =	sst s0  }
0x9: {  	[smem:$0x3FA7] =	sst s1  }
0xa: {  	[smem:$0x3FA8] =	sst s2  }
0xb: {  	[smem:$0x3FA9] =	sst s3  }
0xc: {  	[smem:$0x3FAA] =	sst s4  }
0xd: {  	[smem:$0x3FAB] =	sst s5  }
0xe: {  	[smem:$0x3FAC] =	sst s6  }
0xf: {  	[smem:$0x3FAD] =	sst s7  }
0x10: {  	[smem:$0x3FAE] =	sst s8  }
0x11: {  	[smem:$0x3FAF] =	sst s9;
	s0 =	simm.s32 @!p0 $0x0  }
0x12: {  	s1 =	sld [smem:$0x3F95];
	s0 =	simm.s32 @p0 $0x1  }
0x13: {  	[smem:$0x3FB0] =	sst s0;
	s0 =	simm.s32 @!p1 $0x0  }
0x14: {  	s2 =	sld [smem:$0x3F94];
	s0 =	simm.s32 @p1 $0x1  }
0x15: {  	[smem:$0x3FB1] =	sst s0;
	s0 =	simm.s32 @!p2 $0x0  }
0x16: {  	s3 =	sld [smem:$0x3FDB];
	s0 =	simm.s32 @p2 $0x1  }
0x17: {  	s4 =	simm.s32 $0x1BF5;
	[smem:$0x3FB3] =	sst s0  }
0x18: {  	s0 =	sld [smem:$0x3F96];
	_ =	swait.ge [sflag:s4], $0x0  }
0x19: {  	s7 =	sld [smem:$0x3F97]  }
0x1a: {  	s8 =	sadd.s32 $0xFFFFE003, lr  }
0x1b: {  	s9 =	sadd.s32 $0xFFFFFEF7, lr;
	s5 =	simm.s32 $0xFFFFFFFF;
	p2 =	slt.u32 s8, $0xFFFFF086  }
0x1c: {  	p1 =	slt.u32 s9, $0xF7A;
	s5 =	simm.s32 @!p2 $0x0  }
0x1d: {  	s5 =	simm.s32 @p1 $0x1;
	p0 =	seq.s32 s7, s2  }
0x1e: {  	s7 =	smul.u32 @!p0 $0xF7A, s2;
	p2 =	seq.s32 @!p0 s5, $0x0  }
0x1f: {  	s9 =	smul.u32 $0xF7A, s1;
	s8 =	simm.s32 @!p0 $0x1BF5;
	p2 =	por !p2, p0  }
0x20: {  	[sflag:s8] =	ssyncset.s32 @!p0 $0xFFFFF086;
	s6 =	sadd.s32 @!p0 s3, s7;
	s7 =	simm.s32 @!p0 $0x108  }
0x21: {  	s3 =	sadd.s32 s3, s9;
	s6 =	sadd.s32 @!p0 $0x88, s6;
	s7 =	simm.s32 @p2 $0x1082  }
0x22: {  	[simem:s7], [sflag:s8] =	dma.local @!p0 [hbm:s6], $0xF7A  }
0x23: {  	s9 =	sor.u32 $0xD0000000, s2;
	s6 =	simm.s32 $0x108;
	_ =	swait.ge @!p0 [sflag:s8], $0x0  }
0x24: {  	s3 =	sadd.s32 $0x88, s3;
	s6 =	simm.s32 @!p1 $0x1082;
	[sflag:s4] =	ssyncset.s32 $0xFFFFF086  }
0x25: {  	[simem:s6], [sflag:s4] =	dma.local [hbm:s3], $0xF7A  }
0x26: {  	[smem:$0x3F97] =	sst s1;
	(tag) =	ssettag s2;
	_ =	strace s9  }
0x27: {  	s1 =	sld [smem:$0x3FA7]  }
0x28: {  	s2 =	sld [smem:$0x3FA8]  }
0x29: {  	s4 =	sld [smem:$0x3FAA]  }
0x2a: {  	p0 =	seq.s32 s5, $0x0;
	s5 =	sld [smem:$0x3FAB]  }
0x2b: {  	s6 =	sld [smem:$0x3FAC]  }
0x2c: {  	s7 =	sld [smem:$0x3FAD]  }
0x2d: {  	s3 =	simm.s32 $0x108;
	s8 =	sld [smem:$0x3FAE]  }
0x2e: {  	s3 =	simm.s32 @!p0 $0x1082;
	s9 =	sld [smem:$0x3FAF]  }
0x2f: {  	lr =	sadd.s32 s0, s3;
	s0 =	sld [smem:$0x3FA6]  }
0x30: {  	s3 =	sld [smem:$0x3FA9]  }
0x31: {  	[smem:$0x3FB2] =	sst s10  }
0x32: {  	s10 =	sld [smem:$0x3FB0];
	_ =	sdelay $0x3  }
0x33: {  	p0 =	seq.s32 s10, $0x1;
	s10 =	sld [smem:$0x3FB2];
	_ =	sdelay $0x3  }
0x34: {  	[smem:$0x3FB2] =	sst s10  }
0x35: {  	s10 =	sld [smem:$0x3FB1];
	_ =	sdelay $0x3  }
0x36: {  	p1 =	seq.s32 s10, $0x1;
	s10 =	sld [smem:$0x3FB2];
	_ =	sdelay $0x3  }
0x37: {  	[smem:$0x3FB2] =	sst s10  }
0x38: {  	s10 =	sld [smem:$0x3FB3]  }
0x39: {  	_ = 	snop;
	(pc) =	sbr.ind lr, $3  }
0x3a: {  	_ = 	snop  }
0x3b: {  	_ = 	snop  }
0x3c: {  	p2 =	seq.s32 s10, $0x1;
	s10 =	sld [smem:$0x3FB2]  }
0x3d: {  	_ =	shalt  }
0x3e: {  	_ =	shalt  }
0x3f: {  	_ =	shalt  }
0x40: {  	_ =	shalt  }
0x41: {  	_ =	shalt  }
0x42: {  	_ =	shalt  }
0x43: {  	_ =	shalt  }
0x44: {  	_ =	shalt  }
0x45: {  	_ =	shalt  }
0x46: {  	_ =	shalt  }
0x47: {  	_ =	shalt  }
0x48: {  	_ =	shalt  }
0x49: {  	_ =	shalt  }
0x4a: {  	_ =	shalt  }
0x4b: {  	_ =	shalt  }
0x4c: {  	_ =	shalt  }
0x4d: {  	_ =	shalt  }
0x4e: {  	_ =	shalt  }
0x4f: {  	_ =	shalt  }
0x50: {  	_ =	shalt  }
0x51: {  	_ =	shalt  }
0x52: {  	_ =	shalt  }
0x53: {  	_ =	shalt  }
0x54: {  	_ =	shalt  }
0x55: {  	_ =	shalt  }
0x56: {  	_ =	shalt  }
0x57: {  	_ =	shalt  }
0x58: {  	_ =	shalt  }
0x59: {  	_ =	shalt  }
0x5a: {  	_ =	shalt  }
0x5b: {  	_ =	shalt  }
0x5c: {  	_ =	shalt  }
0x5d: {  	_ =	shalt  }
0x5e: {  	_ =	shalt  }
0x5f: {  	_ =	shalt  }
0x60: {  	_ =	shalt  }
0x61: {  	_ =	shalt  }
0x62: {  	_ =	shalt  }
0x63: {  	_ =	shalt  }
0x64: {  	_ =	shalt  }
0x65: {  	_ =	shalt  }
0x66: {  	_ =	shalt  }
0x67: {  	_ =	shalt  }
0x68: {  	_ =	shalt  }
0x69: {  	_ =	shalt  }
0x6a: {  	_ =	shalt  }
0x6b: {  	_ =	shalt  }
0x6c: {  	_ =	shalt  }
0x6d: {  	_ =	shalt  }
0x6e: {  	_ =	shalt  }
0x6f: {  	_ =	shalt  }
0x70: {  	_ =	shalt  }
0x71: {  	_ =	shalt  }
0x72: {  	_ =	shalt  }
0x73: {  	_ =	shalt  }
0x74: {  	_ =	shalt  }
0x75: {  	_ =	shalt  }
0x76: {  	_ =	shalt  }
0x77: {  	_ =	shalt  }
0x78: {  	_ =	shalt  }
0x79: {  	_ =	shalt  }
0x7a: {  	_ =	shalt  }
0x7b: {  	_ =	shalt  }
0x7c: {  	_ =	shalt  }
0x7d: {  	_ =	shalt  }
0x7e: {  	_ =	shalt  }
0x7f: {  	_ =	shalt  }
0x80: {  	_ =	shalt  }
0x81: {  	_ =	shalt  }
0x82: {  	_ =	shalt  }
0x83: {  	_ =	shalt  }
0x84: {  	_ =	shalt  }
0x85: {  	_ =	shalt  }
0x86: {  	_ =	shalt  }
0x87: {  	_ =	shalt  }
.Lfunc_end0:
.L_simem_size_0:
called_computation_lowered:
.L_overlay_start_0:
0x88: {  	s2 =	sld [smem:$0x3FD9]  }
0x89: {  	s3 =	sld [smem:$0x3FFE];
	_ =	sdelay $0x1  }
0x8a: {  	s1 =	srdreg.scid  }
0x8b: {  	s0 =	sand.u32 $0x1, s1  }
0x8c: {  	s17 =	sshll.u32 s0, $0xA;
	s2 =	sadd.s32 s3, s2  }
0x8d: {  	s2 =	sadd.s32 s2, s17  }
0x8e: {  	[smem:$0x3FBE] =	sst s2  }
0x8f: {  	_ = 	snop  }
0x90: {  	s2 =	sld [smem:$0x3FC6]  }
0x91: {  	s18 =	sld [smem:$0x3FC5]  }
0x92: {  	s4 =	sld [smem:$0x3FD0];
	(tm) =	ssettm $0x1  }
0x93: {  	s5 =	sld [smem:$0x3FFB];
	_ =	sdelay $0x3  }
0x94: {  	_ =	strace s5  }
0x95: {  	s5 =	sld [smem:$0x3FFC];
	_ =	sdelay $0x3  }
0x96: {  	_ =	strace s5  }
0x97: {  	s5 =	sld [smem:$0x3FFD];
	_ =	sdelay $0x3  }
0x98: {  	_ =	strace s5  }
0x99: {  	_ =	strace $0x8FFFFFFF  }
0x9a: {  	s19 =	sld [smem:$0x3FDB];
	_ =	sdelay $0x1  }
0x9b: {  	s6 =	simm.s32 $_scs_section_size  }
0x9c: {  	s7 =	simm.s32 $_size__tile_overlayer_lowered;
	s8 =	simm.s32 $_tile_overlayer_lowered  }
0x9d: {  	s22 =	simm.s32 $0x1BFF;
	s21 =	sshll.u32 s8, $0x1;
	s5 =	sadd.s32 s6, s19  }
0x9e: {  	s9 =	simm.s32 $0x0;
	s20 =	sshll.u32 s7, $0x1;
	s7 =	sadd.s32 s21, s5  }
0x9f: {  	[timem:s9], [sflag:s22] =	dma.local [hbm:s7], s20  }
0xa0: {  	_ =	swait.ge [sflag:s22], s20  }
0xa1: {  	s6 =	ssub.s32 $0x0, s20;
	[sflag:s22] =	ssyncset.done $0x0  }
0xa2: {  	[sflag:s22] =	ssyncadd.s32 s6;
	_ =	sdelay $0x1  }
0xa3: {  	s23 =	simm.s32 $0x1B8B  }
0xa4: {  	_ =	swait.ge [sflag:s23], $0x1  }
0xa5: {  	[sflag:s23] =	ssyncset.done $0x0  }
0xa6: {  	s25 =	simm.s32 $0x1B8E;
	s24 =	sld [smem:$0x3FFE];
	[sflag:s23] =	ssyncadd.s32 $0xFFFFFFFF  }
0xa7: {  	s26 =	simm.s32 $execute0_lowered;
	[smem:$0x3FD2] =	sst s25  }
0xa8: {  	s7 =	sshll.u32 s26, $0x1;
	_ =	strace $0x80000046;
	[dreg:$0x1] =	wrdreg $0xFFFFFFFF  }
0xa9: {  	s28 =	simm.s32 $_size_execute0_lowered;
	s5 =	sadd.s32 s5, s7;
	[dreg:$0x0] =	wrdreg $0x0  }
0xaa: {  	s7 =	sshll.u32 s28, $0x1;
	[dreg:$0x2] =	wrdreg s5  }
0xab: {  	[dreg:$0x3] =	wrdreg s7  }
0xac: {  	[dreg:$0x4] =	wrdreg $0xC0  }
0xad: {  	_ =	task [dreg:s9], $0x5FFFF  }
0xae: {  	[dreg:$0x1] =	wrdreg $0xFFFFFFFF  }
0xaf: {  	[dreg:$0x0] =	wrdreg $0x60  }
0xb0: {  	[dreg:$0x2] =	wrdreg s24  }
0xb1: {  	[dreg:$0x3] =	wrdreg s2  }
0xb2: {  	[dreg:$0x4] =	wrdreg s18  }
0xb3: {  	[dreg:$0x5] =	wrdreg s4  }
0xb4: {  	[dreg:$0x6] =	wrdreg $0x9  }
0xb5: {  	_ =	task.clear_ibuf [dreg:s9], $0x7FFFF;
	_ =	strace $0x90000046  }
0xb6: {  	s29 =	simm.s32 $0x9;
	_ =	strace $0x80000048  }
0xb7: {  	_ =	swait.ge [sflag:s29], $0x1  }
0xb8: {  	[sflag:s29] =	ssyncadd.s32 $0xFFFFFFFF  }
0xb9: {  	_ =	strace $0x90000048  }
0xba: {  	_ =	sfence  }
0xbb: {  	s30 =	sld [smem:$0x0];
	_ =	sdelay $0x2  }
0xbc: {  	s31 =	sshll.u32 s1, $0xD;
	s1 =	sshrl.u32 s1, $0x2  }
0xbd: {  	s3 =	sand.u32 $0x4000, s31;
	s1 =	sadd.s32 s1, s30  }
0xbe: {  	s0 =	sor.u32 s3, s0;
	s1 =	sshll.u32 s1, $0x11  }
0xbf: {  	s0 =	sor.u32 s1, s0  }
0xc0: {  	s0 =	sadd.s32 $0x8F2B, s0  }
0xc1: {  	[sflag:s0] =	ssyncadd.remote.s32 $0x1  }
0xc2: {  	_ =	sfence.sel $0xFFFF  }
0xc3: {  	[dreg:$0x0] =	wrdreg $0xFFFFFFFF;
	(pc) =	sbr.abs _section_cstart, $3  }
0xc4: {  	[dreg:$0x1] =	wrdreg $0xFFFFFFFF  }
0xc5: {  	_ =	task.clear_ibuf [dreg:s9], $0x2FFFF;
	_ =	strace $0x9FFFFFFF  }
0xc6: {  	(tm) =	ssettm $0x7FFFFFFF  }
0xc7: {  	_ =	shalt  }
tec
execute0_lowered:
.L_overlay_start_1:
0x0: {  	(tag) =	ssettag $0x1  }
0x1: {  	s2 =	srdreg.scid  }
0x2: {  	s18 =	rddreg [dreg:$0x0];
	s0 =	stileid.u32;
	s22 =	sand.u32 $0x1, s2  }
0x3: {  	s1 =	rddreg [dreg:$0x1];
	s31 =	sshll.u32 s0, $0x8;
	s4 =	sshll.u32 s22, $0x7  }
0x4: {  	s3 =	rddreg [dreg:$0x2];
	s17 =	sor.u32 s4, s31  }
0x5: {  	s16 =	rddreg [dreg:$0x3];
	s4 =	simm.s32 $0x0;
	s5 =	sshrl.u32 s17, $0x3  }
0x6: {  	[smem:$0x7FF] =	sst s4;
	s6 =	sadd.s32 s5, s18  }
0x7: {  	s2 =	rddreg [dreg:$0x4];
	_ =	strace $0x80000047;
	s5 =	sadd.s32 $0x4000, s6  }
0x8: {  	[tilespmem:s4], [sflag:$0x7] =	stream.linear.gather [hbm4b:s5+s4], $0x80, $0x38;
	[tilespmem:$0x8100] =	vst v63  }
0x9: {  	s7 =	simm.s32 $0x80;
	s8 =	simm.s32 $0x7;
	s6 =	sadd.s32 $0x3E00, s6  }
0xa: {  	[tilespmem:s7], [sflag:$0x8] =	stream.linear.gather [hbm4b:s6+s4], $0x80, $0x38;
	[tilespmem:$0x8100] =	vst v63  }
0xb: {  	_ =	swait.ge [sflag:s8], $0x80  }
0xc: {  	[sflag:s8] =	ssyncset.done $0x0  }
0xd: {  	s9 =	simm.s32 $0x100;
	s10 =	simm.s32 $0x8;
	[sflag:s8] =	ssyncadd.s32 $0xFFFFFF80  }
0xe: {  	[tilespmem:s9], [sflag:$0x1] =	stream.indirect.gather [hbm4b:s1+s7], $0x80, s4, s7, $0xb8;
	[tilespmem:$0x8100] =	vst v63  }
0xf: {  	_ =	swait.ge [sflag:s10], $0x80  }
0x10: {  	[sflag:s10] =	ssyncset.done $0x0  }
0x11: {  	s11 =	simm.s32 $0x40;
	s12 =	simm.s32 $0x4100;
	[sflag:s10] =	ssyncadd.s32 $0xFFFFFF80  }
0x12: {  	[tilespmem:s12], [sflag:$0x2] =	stream.indirect.gather [hbm4b:s3+s11], $0x80, s7, s11, $0xb8;
	[tilespmem:$0x8100] =	vst v63  }
0x13: {  	s13 =	simm.s32 $0xC0;
	s14 =	simm.s32 $0x6100;
	s15 =	simm.s32 $0x1  }
0x14: {  	[tilespmem:s14], [sflag:$0x3] =	stream.indirect.gather [hbm4b:s3+s11], $0x80, s13, s11, $0xb8;
	[tilespmem:$0x8100] =	vst v63  }
0x15: {  	_ =	swait.ge [sflag:s15], $0x4000  }
0x16: {  	s19 =	sshll.u32 s17, $0x4;
	[sflag:s15] =	ssyncset.done $0x0  }
0x17: {  	s17 =	simm.s32 $0x2;
	s16 =	sadd.s32 s16, s19;
	[sflag:s15] =	ssyncadd.s32 $0xFFFFC000  }
0x18: {  	[hbm4b:s16+s4] =	stream.linear.scatter [tilespmem:s9], [sflag:$0x4], $0x4000, $0x38;
	[tilespmem:$0x8100] =	vst v63  }
0x19: {  	_ =	swait.ge [sflag:s17], $0x2000  }
0x1a: {  	s20 =	sadd.s32 s19, s18;
	[sflag:s17] =	ssyncset.done $0x0  }
0x1b: {  	s19 =	simm.s32 $0x3;
	s18 =	sadd.s32 $0x4E00, s20;
	[sflag:s17] =	ssyncadd.s32 $0xFFFFE000  }
0x1c: {  	[hbm4b:s18+s4] =	stream.linear.scatter [tilespmem:s12], [sflag:$0x5], $0x2000, $0x38;
	[tilespmem:$0x8100] =	vst v63  }
0x1d: {  	_ =	swait.ge [sflag:s19], $0x2000  }
0x1e: {  	s21 =	simm.s32 $0x4;
	s23 =	ssub.s32 $0x2, s22;
	[sflag:s19] =	ssyncset.done $0x0  }
0x1f: {  	s24 =	sshrl.u32 s23, $0x1;
	s20 =	sadd.s32 $0x5200, s20;
	[sflag:s19] =	ssyncadd.s32 $0xFFFFE000  }
0x20: {  	[hbm4b:s20+s4] =	stream.linear.scatter [tilespmem:s14], [sflag:$0x6], $0x2000, $0x38;
	[tilespmem:$0x8100] =	vst v63  }
0x21: {  	s23 =	ssub.s32 s23, s24;
	_ =	swait.ge [sflag:s21], $0x4000  }
0x22: {  	s24 =	smax.u32 s23, $0x1;
	[sflag:s21] =	ssyncset.done $0x0  }
0x23: {  	s22 =	simm.s32 $0x5;
	p0 =	sne.s32 s24, $0x1;
	[sflag:s21] =	ssyncadd.s32 $0xFFFFC000  }
.Ltmp0:
0x24: {  	_ =	swait.ge [sflag:s22], $0x2000;
	(pc) =	sbr.rel @!p0 .LBB2_2-.Ltmp0, $4  }
0x25: {  	[sflag:s22] =	ssyncset.done $0x0  }
0x26: {  	s23 =	simm.s32 $0x6;
	[sflag:s22] =	ssyncadd.s32 $0xFFFFE000  }
0x27: {  	_ =	swait.ge [sflag:s23], $0x2000  }
0x28: {  	s24 =	sadd.s32 $0xFFFFFFFF, s24;
	[sflag:s23] =	ssyncset.done $0x0  }
.LBB2_1:
0x29: {  	p0 =	sne.s32 s24, $0x1;
	s24 =	sadd.s32 $0xFFFFFFFF, s24;
	[sflag:s23] =	ssyncadd.s32 $0xFFFFE000  }
0x2a: {  	[tilespmem:s4], [sflag:$0x7] =	stream.linear.gather [hbm4b:s5+s4], $0x80, $0x38;
	[tilespmem:$0x8100] =	vst v63  }
0x2b: {  	_ = 	snop  }
0x2c: {  	[tilespmem:s7], [sflag:$0x8] =	stream.linear.gather [hbm4b:s6+s4], $0x80, $0x38;
	[tilespmem:$0x8100] =	vst v63  }
0x2d: {  	_ =	swait.ge [sflag:s8], $0x80  }
0x2e: {  	[sflag:s8] =	ssyncset.done $0x0  }
0x2f: {  	[sflag:s8] =	ssyncadd.s32 $0xFFFFFF80  }
0x30: {  	[tilespmem:s9], [sflag:$0x1] =	stream.indirect.gather [hbm4b:s1+s7], $0x80, s4, s7, $0xb8;
	[tilespmem:$0x8100] =	vst v63  }
0x31: {  	_ =	swait.ge [sflag:s10], $0x80  }
0x32: {  	[sflag:s10] =	ssyncset.done $0x0  }
0x33: {  	[sflag:s10] =	ssyncadd.s32 $0xFFFFFF80  }
0x34: {  	[tilespmem:s12], [sflag:$0x2] =	stream.indirect.gather [hbm4b:s3+s11], $0x80, s7, s11, $0xb8;
	[tilespmem:$0x8100] =	vst v63  }
0x35: {  	_ = 	snop  }
0x36: {  	[tilespmem:s14], [sflag:$0x3] =	stream.indirect.gather [hbm4b:s3+s11], $0x80, s13, s11, $0xb8;
	[tilespmem:$0x8100] =	vst v63  }
0x37: {  	_ =	swait.ge [sflag:s15], $0x4000  }
0x38: {  	[sflag:s15] =	ssyncset.done $0x0  }
0x39: {  	[sflag:s15] =	ssyncadd.s32 $0xFFFFC000  }
0x3a: {  	[hbm4b:s16+s4] =	stream.linear.scatter [tilespmem:s9], [sflag:$0x4], $0x4000, $0x38;
	[tilespmem:$0x8100] =	vst v63  }
0x3b: {  	_ =	swait.ge [sflag:s17], $0x2000  }
0x3c: {  	[sflag:s17] =	ssyncset.done $0x0  }
0x3d: {  	[sflag:s17] =	ssyncadd.s32 $0xFFFFE000  }
0x3e: {  	[hbm4b:s18+s4] =	stream.linear.scatter [tilespmem:s12], [sflag:$0x5], $0x2000, $0x38;
	[tilespmem:$0x8100] =	vst v63  }
0x3f: {  	_ =	swait.ge [sflag:s19], $0x2000  }
0x40: {  	[sflag:s19] =	ssyncset.done $0x0  }
0x41: {  	[sflag:s19] =	ssyncadd.s32 $0xFFFFE000  }
0x42: {  	[hbm4b:s20+s4] =	stream.linear.scatter [tilespmem:s14], [sflag:$0x6], $0x2000, $0x38;
	[tilespmem:$0x8100] =	vst v63  }
0x43: {  	_ =	swait.ge [sflag:s21], $0x4000  }
0x44: {  	[sflag:s21] =	ssyncset.done $0x0  }
0x45: {  	[sflag:s21] =	ssyncadd.s32 $0xFFFFC000  }
.Ltmp1:
0x46: {  	_ =	swait.ge [sflag:s22], $0x2000;
	(pc) =	sbr.rel @p0 .LBB2_1-.Ltmp1, $4  }
0x47: {  	[sflag:s22] =	ssyncset.done $0x0  }
0x48: {  	[sflag:s22] =	ssyncadd.s32 $0xFFFFE000  }
0x49: {  	_ =	swait.ge [sflag:s23], $0x2000  }
0x4a: {  	[sflag:s23] =	ssyncset.done $0x0  }
.LBB2_2:
0x4b: {  	[sflag:s23] =	ssyncadd.s32 $0xFFFFE000  }
0x4c: {  	_ =	sfence.sel $0x180000  }
0x4d: {  	[bflag:$0x0] =	sbarrier.arrive $0xFFFF  }
0x4e: {  	p0 =	sne.s32 s0, $0x0;
	_ =	strace $0x90000047  }
0x4f: {  	s0 =	sadd.s32 @!p0 $0x100000, s2;
	[bflag:$0x2] =	sbarrier.arrive $0xFFFF  }
0x50: {  	[sflag:s0] =	ssyncadd.tile.s32 @!p0 $0x1;
	_ =	shalt  }
.Lfunc_end2:
_tile_overlayer_lowered:
.L_overlay_start_2:
0x51: {  	(tag) =	ssettag $0x2  }
0x52: {  	s0 =	rddreg [dreg:$0x0];
	s2 =	stileid.u32  }
0x53: {  	s1 =	rddreg [dreg:$0x1];
	p0 =	sne.s32 s2, $0x0  }
0x54: {  	s3 =	rddreg [dreg:$0x2];
	[bflag:$0x3] =	sbarrier.arrive $0xFFFF;
	s2 =	simm.s32 @!p0 $0x1C09  }
0x55: {  	[timem:s3], [sflag:s2] =	dma.local @!p0 [hbm:s0], s1  }
0x56: {  	s0 =	simm.s32 @!p0 $0x9  }
0x57: {  	_ =	swait.ge @!p0 [sflag:s0], s1  }
0x58: {  	s1 =	ssub.s32 @!p0 $0x0, s1;
	[sflag:s0] =	ssyncset.done @!p0 $0x0  }
0x59: {  	[sflag:s0] =	ssyncadd.s32 @!p0 s1  }
0x5a: {  	[bflag:$0x3] =	sbarrier.arrive $0xFFFF  }
0x5b: {  	_ =	shalt  }

// kernel: kernel.13.cloned.1.call-start
scs
__scs_entry_jumppad:
0x0: {  	(pc) =	sbr.rel $0x88, $3  }
0x1: {  	(tag) =	ssettag $0x0;
	lr =	simm.s32 $0x1  }
0x2: {  	[smem:$0x3F97] =	sst lr;
	_ =	strace $0xD0000000  }
0x3: {  	_ = 	snop  }
0x4: {  	_ = 	snop  }
0x5: {  	_ = 	snop  }
0x6: {  	_ = 	snop  }
0x7: {  	_ = 	snop  }
__scs_overlays_trampoline_lowered:
0x8: {  	[smem:$0x3FA6] =	sst s0  }
0x9: {  	[smem:$0x3FA7] =	sst s1  }
0xa: {  	[smem:$0x3FA8] =	sst s2  }
0xb: {  	[smem:$0x3FA9] =	sst s3  }
0xc: {  	[smem:$0x3FAA] =	sst s4  }
0xd: {  	[smem:$0x3FAB] =	sst s5  }
0xe: {  	[smem:$0x3FAC] =	sst s6  }
0xf: {  	[smem:$0x3FAD] =	sst s7  }
0x10: {  	[smem:$0x3FAE] =	sst s8  }
0x11: {  	[smem:$0x3FAF] =	sst s9;
	s0 =	simm.s32 @!p0 $0x0  }
0x12: {  	s1 =	sld [smem:$0x3F95];
	s0 =	simm.s32 @p0 $0x1  }
0x13: {  	[smem:$0x3FB0] =	sst s0;
	s0 =	simm.s32 @!p1 $0x0  }
0x14: {  	s2 =	sld [smem:$0x3F94];
	s0 =	simm.s32 @p1 $0x1  }
0x15: {  	[smem:$0x3FB1] =	sst s0;
	s0 =	simm.s32 @!p2 $0x0  }
0x16: {  	s3 =	sld [smem:$0x3FDB];
	s0 =	simm.s32 @p2 $0x1  }
0x17: {  	s4 =	simm.s32 $0x1BF5;
	[smem:$0x3FB3] =	sst s0  }
0x18: {  	s0 =	sld [smem:$0x3F96];
	_ =	swait.ge [sflag:s4], $0x0  }
0x19: {  	s7 =	sld [smem:$0x3F97]  }
0x1a: {  	s8 =	sadd.s32 $0xFFFFE003, lr  }
0x1b: {  	s9 =	sadd.s32 $0xFFFFFEF7, lr;
	s5 =	simm.s32 $0xFFFFFFFF;
	p2 =	slt.u32 s8, $0xFFFFF086  }
0x1c: {  	p1 =	slt.u32 s9, $0xF7A;
	s5 =	simm.s32 @!p2 $0x0  }
0x1d: {  	s5 =	simm.s32 @p1 $0x1;
	p0 =	seq.s32 s7, s2  }
0x1e: {  	s7 =	smul.u32 @!p0 $0xF7A, s2;
	p2 =	seq.s32 @!p0 s5, $0x0  }
0x1f: {  	s9 =	smul.u32 $0xF7A, s1;
	s8 =	simm.s32 @!p0 $0x1BF5;
	p2 =	por !p2, p0  }
0x20: {  	[sflag:s8] =	ssyncset.s32 @!p0 $0xFFFFF086;
	s6 =	sadd.s32 @!p0 s3, s7;
	s7 =	simm.s32 @!p0 $0x108  }
0x21: {  	s3 =	sadd.s32 s3, s9;
	s6 =	sadd.s32 @!p0 $0x88, s6;
	s7 =	simm.s32 @p2 $0x1082  }
0x22: {  	[simem:s7], [sflag:s8] =	dma.local @!p0 [hbm:s6], $0xF7A  }
0x23: {  	s9 =	sor.u32 $0xD0000000, s2;
	s6 =	simm.s32 $0x108;
	_ =	swait.ge @!p0 [sflag:s8], $0x0  }
0x24: {  	s3 =	sadd.s32 $0x88, s3;
	s6 =	simm.s32 @!p1 $0x1082;
	[sflag:s4] =	ssyncset.s32 $0xFFFFF086  }
0x25: {  	[simem:s6], [sflag:s4] =	dma.local [hbm:s3], $0xF7A  }
0x26: {  	[smem:$0x3F97] =	sst s1;
	(tag) =	ssettag s2;
	_ =	strace s9  }
0x27: {  	s1 =	sld [smem:$0x3FA7]  }
0x28: {  	s2 =	sld [smem:$0x3FA8]  }
0x29: {  	s4 =	sld [smem:$0x3FAA]  }
0x2a: {  	p0 =	seq.s32 s5, $0x0;
	s5 =	sld [smem:$0x3FAB]  }
0x2b: {  	s6 =	sld [smem:$0x3FAC]  }
0x2c: {  	s7 =	sld [smem:$0x3FAD]  }
0x2d: {  	s3 =	simm.s32 $0x108;
	s8 =	sld [smem:$0x3FAE]  }
0x2e: {  	s3 =	simm.s32 @!p0 $0x1082;
	s9 =	sld [smem:$0x3FAF]  }
0x2f: {  	lr =	sadd.s32 s0, s3;
	s0 =	sld [smem:$0x3FA6]  }
0x30: {  	s3 =	sld [smem:$0x3FA9]  }
0x31: {  	[smem:$0x3FB2] =	sst s10  }
0x32: {  	s10 =	sld [smem:$0x3FB0];
	_ =	sdelay $0x3  }
0x33: {  	p0 =	seq.s32 s10, $0x1;
	s10 =	sld [smem:$0x3FB2];
	_ =	sdelay $0x3  }
0x34: {  	[smem:$0x3FB2] =	sst s10  }
0x35: {  	s10 =	sld [smem:$0x3FB1];
	_ =	sdelay $0x3  }
0x36: {  	p1 =	seq.s32 s10, $0x1;
	s10 =	sld [smem:$0x3FB2];
	_ =	sdelay $0x3  }
0x37: {  	[smem:$0x3FB2] =	sst s10  }
0x38: {  	s10 =	sld [smem:$0x3FB3]  }
0x39: {  	_ = 	snop;
	(pc) =	sbr.ind lr, $3  }
0x3a: {  	_ = 	snop  }
0x3b: {  	_ = 	snop  }
0x3c: {  	p2 =	seq.s32 s10, $0x1;
	s10 =	sld [smem:$0x3FB2]  }
0x3d: {  	_ =	shalt  }
0x3e: {  	_ =	shalt  }
0x3f: {  	_ =	shalt  }
0x40: {  	_ =	shalt  }
0x41: {  	_ =	shalt  }
0x42: {  	_ =	shalt  }
0x43: {  	_ =	shalt  }
0x44: {  	_ =	shalt  }
0x45: {  	_ =	shalt  }
0x46: {  	_ =	shalt  }
0x47: {  	_ =	shalt  }
0x48: {  	_ =	shalt  }
0x49: {  	_ =	shalt  }
0x4a: {  	_ =	shalt  }
0x4b: {  	_ =	shalt  }
0x4c: {  	_ =	shalt  }
0x4d: {  	_ =	shalt  }
0x4e: {  	_ =	shalt  }
0x4f: {  	_ =	shalt  }
0x50: {  	_ =	shalt  }
0x51: {  	_ =	shalt  }
0x52: {  	_ =	shalt  }
0x53: {  	_ =	shalt  }
0x54: {  	_ =	shalt  }
0x55: {  	_ =	shalt  }
0x56: {  	_ =	shalt  }
0x57: {  	_ =	shalt  }
0x58: {  	_ =	shalt  }
0x59: {  	_ =	shalt  }
0x5a: {  	_ =	shalt  }
0x5b: {  	_ =	shalt  }
0x5c: {  	_ =	shalt  }
0x5d: {  	_ =	shalt  }
0x5e: {  	_ =	shalt  }
0x5f: {  	_ =	shalt  }
0x60: {  	_ =	shalt  }
0x61: {  	_ =	shalt  }
0x62: {  	_ =	shalt  }
0x63: {  	_ =	shalt  }
0x64: {  	_ =	shalt  }
0x65: {  	_ =	shalt  }
0x66: {  	_ =	shalt  }
0x67: {  	_ =	shalt  }
0x68: {  	_ =	shalt  }
0x69: {  	_ =	shalt  }
0x6a: {  	_ =	shalt  }
0x6b: {  	_ =	shalt  }
0x6c: {  	_ =	shalt  }
0x6d: {  	_ =	shalt  }
0x6e: {  	_ =	shalt  }
0x6f: {  	_ =	shalt  }
0x70: {  	_ =	shalt  }
0x71: {  	_ =	shalt  }
0x72: {  	_ =	shalt  }
0x73: {  	_ =	shalt  }
0x74: {  	_ =	shalt  }
0x75: {  	_ =	shalt  }
0x76: {  	_ =	shalt  }
0x77: {  	_ =	shalt  }
0x78: {  	_ =	shalt  }
0x79: {  	_ =	shalt  }
0x7a: {  	_ =	shalt  }
0x7b: {  	_ =	shalt  }
0x7c: {  	_ =	shalt  }
0x7d: {  	_ =	shalt  }
0x7e: {  	_ =	shalt  }
0x7f: {  	_ =	shalt  }
0x80: {  	_ =	shalt  }
0x81: {  	_ =	shalt  }
0x82: {  	_ =	shalt  }
0x83: {  	_ =	shalt  }
0x84: {  	_ =	shalt  }
0x85: {  	_ =	shalt  }
0x86: {  	_ =	shalt  }
0x87: {  	_ =	shalt  }
.Lfunc_end0:
.L_simem_size_0:
called_computation.1_lowered:
.L_overlay_start_0:
0x88: {  	s2 =	sld [smem:$0x3FD9]  }
0x89: {  	s3 =	sld [smem:$0x3FFE];
	_ =	sdelay $0x1  }
0x8a: {  	s1 =	srdreg.scid  }
0x8b: {  	s0 =	sand.u32 $0x1, s1  }
0x8c: {  	s17 =	sshll.u32 s0, $0xA;
	s2 =	sadd.s32 s3, s2  }
0x8d: {  	s2 =	sadd.s32 s2, s17  }
0x8e: {  	[smem:$0x3FBE] =	sst s2  }
0x8f: {  	_ = 	snop  }
0x90: {  	s18 =	sld [smem:$0x3FC6]  }
0x91: {  	s4 =	sld [smem:$0x3FC5];
	(tm) =	ssettm $0x1  }
0x92: {  	s19 =	sld [smem:$0x3FFB];
	_ =	sdelay $0x3  }
0x93: {  	_ =	strace s19  }
0x94: {  	s2 =	sld [smem:$0x3FFC];
	_ =	sdelay $0x3  }
0x95: {  	_ =	strace s2  }
0x96: {  	s2 =	sld [smem:$0x3FFD];
	_ =	sdelay $0x3  }
0x97: {  	_ =	strace s2  }
0x98: {  	_ =	strace $0x8FFFFFFF  }
0x99: {  	s20 =	sld [smem:$0x3FDB];
	_ =	sdelay $0x1  }
0x9a: {  	s5 =	simm.s32 $_scs_section_size  }
0x9b: {  	s6 =	simm.s32 $_size__tile_overlayer_lowered;
	s7 =	simm.s32 $_tile_overlayer_lowered  }
0x9c: {  	s8 =	simm.s32 $0x1BFF;
	s21 =	sshll.u32 s7, $0x1;
	s5 =	sadd.s32 s5, s20  }
0x9d: {  	s22 =	simm.s32 $0x0;
	s6 =	sshll.u32 s6, $0x1;
	s7 =	sadd.s32 s21, s5  }
0x9e: {  	[timem:s22], [sflag:s8] =	dma.local [hbm:s7], s6  }
0x9f: {  	_ =	swait.ge [sflag:s8], s6  }
0xa0: {  	s6 =	ssub.s32 $0x0, s6;
	[sflag:s8] =	ssyncset.done $0x0  }
0xa1: {  	[sflag:s8] =	ssyncadd.s32 s6;
	_ =	sdelay $0x1  }
0xa2: {  	s23 =	simm.s32 $0x1B8B  }
0xa3: {  	_ =	swait.ge [sflag:s23], $0x1  }
0xa4: {  	[sflag:s23] =	ssyncset.done $0x0  }
0xa5: {  	[sflag:s23] =	ssyncadd.s32 $0xFFFFFFFF  }
0xa6: {  	s6 =	sld [smem:$0x0]  }
0xa7: {  	s7 =	sand.u32 $0xFFFFFFFE, s1  }
0xa8: {  	p0 =	sne.s32 s1, s7  }
0xa9: {  	s7 =	sshll.u32 @p0 s7, $0xE  }
0xaa: {  	s7 =	sadd.s32 @p0 $0x11B8D, s7;
	s8 =	sshll.u32 @p0 s6, $0x11  }
0xab: {  	s7 =	sor.u32 @p0 s8, s7  }
0xac: {  	[sflag:s7] =	ssyncadd.remote.s32 @p0 $0x1;
	_ =	sdelay $0x1  }
0xad: {  	s7 =	simm.s32 @p0 $0x1B8D  }
0xae: {  	_ =	swait.eq @p0 [sflag:s7], $0x1  }
0xaf: {  	[sflag:s7] =	ssyncadd.s32 @p0 $0xFFFFFFFF  }
0xb0: {  	s8 =	sshll.u32 @!p0 s1, $0xE  }
0xb1: {  	s8 =	sor.u32 @!p0 $0x4000, s8;
	s7 =	simm.s32 @!p0 $0x1B8D  }
0xb2: {  	s6 =	sshll.u32 @!p0 s6, $0x11;
	s8 =	sadd.s32 @!p0 $0x11B8D, s8;
	_ =	swait.eq @!p0 [sflag:s7], $0x1  }
0xb3: {  	s6 =	sor.u32 @!p0 s6, s8;
	[sflag:s7] =	ssyncadd.s32 @!p0 $0xFFFFFFFF  }
0xb4: {  	s25 =	simm.s32 $0x1B8E;
	s24 =	sld [smem:$0x3FFE];
	[sflag:s6] =	ssyncadd.remote.s32 @!p0 $0x1  }
0xb5: {  	s26 =	simm.s32 $execute0_lowered;
	[smem:$0x3FD2] =	sst s25  }
0xb6: {  	s7 =	sshll.u32 s26, $0x1;
	_ =	strace $0x80000049;
	[dreg:$0x1] =	wrdreg $0xFFFFFFFF  }
0xb7: {  	s28 =	simm.s32 $_size_execute0_lowered;
	s5 =	sadd.s32 s5, s7;
	[dreg:$0x0] =	wrdreg $0x0  }
0xb8: {  	s7 =	sshll.u32 s28, $0x1;
	[dreg:$0x2] =	wrdreg s5  }
0xb9: {  	[dreg:$0x3] =	wrdreg s7  }
0xba: {  	[dreg:$0x4] =	wrdreg $0xC0  }
0xbb: {  	_ =	task [dreg:s22], $0x5FFFF  }
0xbc: {  	[dreg:$0x1] =	wrdreg $0xFFFFFFFF  }
0xbd: {  	[dreg:$0x0] =	wrdreg $0x60  }
0xbe: {  	[dreg:$0x2] =	wrdreg s24  }
0xbf: {  	[dreg:$0x3] =	wrdreg s18  }
0xc0: {  	[dreg:$0x4] =	wrdreg s4  }
0xc1: {  	[dreg:$0x5] =	wrdreg $0xA  }
0xc2: {  	_ =	task.clear_ibuf [dreg:s22], $0x6FFFF;
	_ =	strace $0x90000049  }
0xc3: {  	s29 =	simm.s32 $0xA;
	_ =	strace $0x8000004B  }
0xc4: {  	_ =	swait.ge [sflag:s29], $0x1  }
0xc5: {  	[sflag:s29] =	ssyncadd.s32 $0xFFFFFFFF  }
0xc6: {  	_ =	strace $0x9000004B  }
0xc7: {  	_ =	sfence  }
0xc8: {  	s30 =	sld [smem:$0x0];
	_ =	sdelay $0x2  }
0xc9: {  	s31 =	sshll.u32 s1, $0xD;
	s1 =	sshrl.u32 s1, $0x2  }
0xca: {  	s4 =	sand.u32 $0x4000, s31;
	s1 =	sadd.s32 s1, s30  }
0xcb: {  	s0 =	sor.u32 s4, s0;
	s1 =	sshll.u32 s1, $0x11  }
0xcc: {  	s0 =	sor.u32 s1, s0  }
0xcd: {  	s0 =	sadd.s32 $0x8F2B, s0  }
0xce: {  	[sflag:s0] =	ssyncadd.remote.s32 $0x1  }
0xcf: {  	_ =	sfence.sel $0xFFFF  }
0xd0: {  	[dreg:$0x0] =	wrdreg $0xFFFFFFFF;
	(pc) =	sbr.abs _section_cstart, $3  }
0xd1: {  	[dreg:$0x1] =	wrdreg $0xFFFFFFFF  }
0xd2: {  	_ =	task.clear_ibuf [dreg:s22], $0x2FFFF;
	_ =	strace $0x9FFFFFFF  }
0xd3: {  	(tm) =	ssettm $0x7FFFFFFF  }
tec
execute0_lowered:
.L_overlay_start_1:
0x0: {  	(tag) =	ssettag $0x1  }
0x1: {  	s1 =	srdreg.scid  }
0x2: {  	s0 =	stileid.u32;
	s22 =	sand.u32 $0x1, s1  }
0x3: {  	s16 =	rddreg [dreg:$0x0];
	s31 =	sshll.u32 s0, $0x8;
	s4 =	sshll.u32 s22, $0x7  }
0x4: {  	s2 =	rddreg [dreg:$0x1];
	s17 =	sor.u32 s4, s31  }
0x5: {  	s3 =	rddreg [dreg:$0x2];
	s4 =	simm.s32 $0x0;
	s5 =	sshrl.u32 s17, $0x3  }
0x6: {  	[smem:$0x7FF] =	sst s4;
	s6 =	sadd.s32 s5, s16  }
0x7: {  	s1 =	rddreg [dreg:$0x3];
	_ =	strace $0x8000004A;
	s5 =	sadd.s32 $0x4400, s6  }
0x8: {  	[tilespmem:s4], [sflag:$0x7] =	stream.linear.gather [hbm4b:s5+s4], $0x80, $0x38;
	[tilespmem:$0x8100] =	vst v63  }
0x9: {  	s7 =	simm.s32 $0x80;
	s8 =	simm.s32 $0x7;
	s6 =	sadd.s32 $0x4200, s6  }
0xa: {  	[tilespmem:s7], [sflag:$0x8] =	stream.linear.gather [hbm4b:s6+s4], $0x80, $0x38;
	[tilespmem:$0x8100] =	vst v63  }
0xb: {  	_ =	swait.ge [sflag:s8], $0x80  }
0xc: {  	[sflag:s8] =	ssyncset.done $0x0  }
0xd: {  	s9 =	simm.s32 $0x100;
	s10 =	simm.s32 $0x8;
	[sflag:s8] =	ssyncadd.s32 $0xFFFFFF80  }
0xe: {  	[tilespmem:s9], [sflag:$0x1] =	stream.indirect.gather [hbm4b:s2+s7], $0x80, s4, s7, $0xb8;
	[tilespmem:$0x8100] =	vst v63  }
0xf: {  	_ =	swait.ge [sflag:s10], $0x80  }
0x10: {  	[sflag:s10] =	ssyncset.done $0x0  }
0x11: {  	s11 =	simm.s32 $0x40;
	s12 =	simm.s32 $0x4100;
	[sflag:s10] =	ssyncadd.s32 $0xFFFFFF80  }
0x12: {  	[tilespmem:s12], [sflag:$0x2] =	stream.indirect.gather [hbm4b:s3+s11], $0x80, s7, s11, $0xb8;
	[tilespmem:$0x8100] =	vst v63  }
0x13: {  	s13 =	simm.s32 $0xC0;
	s14 =	simm.s32 $0x6100;
	s15 =	simm.s32 $0x1  }
0x14: {  	[tilespmem:s14], [sflag:$0x3] =	stream.indirect.gather [hbm4b:s3+s11], $0x80, s13, s11, $0xb8;
	[tilespmem:$0x8100] =	vst v63  }
0x15: {  	s17 =	sshll.u32 s17, $0x4;
	_ =	swait.ge [sflag:s15], $0x4000  }
0x16: {  	s20 =	sadd.s32 s17, s16;
	[sflag:s15] =	ssyncset.done $0x0  }
0x17: {  	s17 =	simm.s32 $0x2;
	s16 =	sadd.s32 $0x14E00, s20;
	[sflag:s15] =	ssyncadd.s32 $0xFFFFC000  }
0x18: {  	[hbm4b:s16+s4] =	stream.linear.scatter [tilespmem:s9], [sflag:$0x4], $0x4000, $0x38;
	[tilespmem:$0x8100] =	vst v63  }
0x19: {  	_ =	swait.ge [sflag:s17], $0x2000  }
0x1a: {  	[sflag:s17] =	ssyncset.done $0x0  }
0x1b: {  	s19 =	simm.s32 $0x3;
	s18 =	sadd.s32 $0x24E00, s20;
	[sflag:s17] =	ssyncadd.s32 $0xFFFFE000  }
0x1c: {  	[hbm4b:s18+s4] =	stream.linear.scatter [tilespmem:s12], [sflag:$0x5], $0x2000, $0x38;
	[tilespmem:$0x8100] =	vst v63  }
0x1d: {  	_ =	swait.ge [sflag:s19], $0x2000  }
0x1e: {  	s21 =	simm.s32 $0x4;
	s23 =	ssub.s32 $0x2, s22;
	[sflag:s19] =	ssyncset.done $0x0  }
0x1f: {  	s24 =	sshrl.u32 s23, $0x1;
	s20 =	sadd.s32 $0x25200, s20;
	[sflag:s19] =	ssyncadd.s32 $0xFFFFE000  }
0x20: {  	[hbm4b:s20+s4] =	stream.linear.scatter [tilespmem:s14], [sflag:$0x6], $0x2000, $0x38;
	[tilespmem:$0x8100] =	vst v63  }
0x21: {  	s23 =	ssub.s32 s23, s24;
	_ =	swait.ge [sflag:s21], $0x4000  }
0x22: {  	s24 =	smax.u32 s23, $0x1;
	[sflag:s21] =	ssyncset.done $0x0  }
0x23: {  	s22 =	simm.s32 $0x5;
	p0 =	sne.s32 s24, $0x1;
	[sflag:s21] =	ssyncadd.s32 $0xFFFFC000  }
.Ltmp0:
0x24: {  	_ =	swait.ge [sflag:s22], $0x2000;
	(pc) =	sbr.rel @!p0 .LBB2_2-.Ltmp0, $4  }
0x25: {  	[sflag:s22] =	ssyncset.done $0x0  }
0x26: {  	s23 =	simm.s32 $0x6;
	[sflag:s22] =	ssyncadd.s32 $0xFFFFE000  }
0x27: {  	_ =	swait.ge [sflag:s23], $0x2000  }
0x28: {  	s24 =	sadd.s32 $0xFFFFFFFF, s24;
	[sflag:s23] =	ssyncset.done $0x0  }
.LBB2_1:
0x29: {  	p0 =	sne.s32 s24, $0x1;
	s24 =	sadd.s32 $0xFFFFFFFF, s24;
	[sflag:s23] =	ssyncadd.s32 $0xFFFFE000  }
0x2a: {  	[tilespmem:s4], [sflag:$0x7] =	stream.linear.gather [hbm4b:s5+s4], $0x80, $0x38;
	[tilespmem:$0x8100] =	vst v63  }
0x2b: {  	_ = 	snop  }
0x2c: {  	[tilespmem:s7], [sflag:$0x8] =	stream.linear.gather [hbm4b:s6+s4], $0x80, $0x38;
	[tilespmem:$0x8100] =	vst v63  }
0x2d: {  	_ =	swait.ge [sflag:s8], $0x80  }
0x2e: {  	[sflag:s8] =	ssyncset.done $0x0  }
0x2f: {  	[sflag:s8] =	ssyncadd.s32 $0xFFFFFF80  }
0x30: {  	[tilespmem:s9], [sflag:$0x1] =	stream.indirect.gather [hbm4b:s2+s7], $0x80, s4, s7, $0xb8;
	[tilespmem:$0x8100] =	vst v63  }
0x31: {  	_ =	swait.ge [sflag:s10], $0x80  }
0x32: {  	[sflag:s10] =	ssyncset.done $0x0  }
0x33: {  	[sflag:s10] =	ssyncadd.s32 $0xFFFFFF80  }
0x34: {  	[tilespmem:s12], [sflag:$0x2] =	stream.indirect.gather [hbm4b:s3+s11], $0x80, s7, s11, $0xb8;
	[tilespmem:$0x8100] =	vst v63  }
0x35: {  	_ = 	snop  }
0x36: {  	[tilespmem:s14], [sflag:$0x3] =	stream.indirect.gather [hbm4b:s3+s11], $0x80, s13, s11, $0xb8;
	[tilespmem:$0x8100] =	vst v63  }
0x37: {  	_ =	swait.ge [sflag:s15], $0x4000  }
0x38: {  	[sflag:s15] =	ssyncset.done $0x0  }
0x39: {  	[sflag:s15] =	ssyncadd.s32 $0xFFFFC000  }
0x3a: {  	[hbm4b:s16+s4] =	stream.linear.scatter [tilespmem:s9], [sflag:$0x4], $0x4000, $0x38;
	[tilespmem:$0x8100] =	vst v63  }
0x3b: {  	_ =	swait.ge [sflag:s17], $0x2000  }
0x3c: {  	[sflag:s17] =	ssyncset.done $0x0  }
0x3d: {  	[sflag:s17] =	ssyncadd.s32 $0xFFFFE000  }
0x3e: {  	[hbm4b:s18+s4] =	stream.linear.scatter [tilespmem:s12], [sflag:$0x5], $0x2000, $0x38;
	[tilespmem:$0x8100] =	vst v63  }
0x3f: {  	_ =	swait.ge [sflag:s19], $0x2000  }
0x40: {  	[sflag:s19] =	ssyncset.done $0x0  }
0x41: {  	[sflag:s19] =	ssyncadd.s32 $0xFFFFE000  }
0x42: {  	[hbm4b:s20+s4] =	stream.linear.scatter [tilespmem:s14], [sflag:$0x6], $0x2000, $0x38;
	[tilespmem:$0x8100] =	vst v63  }
0x43: {  	_ =	swait.ge [sflag:s21], $0x4000  }
0x44: {  	[sflag:s21] =	ssyncset.done $0x0  }
0x45: {  	[sflag:s21] =	ssyncadd.s32 $0xFFFFC000  }
.Ltmp1:
0x46: {  	_ =	swait.ge [sflag:s22], $0x2000;
	(pc) =	sbr.rel @p0 .LBB2_1-.Ltmp1, $4  }
0x47: {  	[sflag:s22] =	ssyncset.done $0x0  }
0x48: {  	[sflag:s22] =	ssyncadd.s32 $0xFFFFE000  }
0x49: {  	_ =	swait.ge [sflag:s23], $0x2000  }
0x4a: {  	[sflag:s23] =	ssyncset.done $0x0  }
.LBB2_2:
0x4b: {  	[sflag:s23] =	ssyncadd.s32 $0xFFFFE000  }
0x4c: {  	_ =	sfence.sel $0x180000  }
0x4d: {  	[bflag:$0x0] =	sbarrier.arrive $0xFFFF  }
0x4e: {  	p0 =	sne.s32 s0, $0x0;
	_ =	strace $0x9000004A  }
0x4f: {  	s0 =	sadd.s32 @!p0 $0x100000, s1;
	[bflag:$0x2] =	sbarrier.arrive $0xFFFF  }
0x50: {  	[sflag:s0] =	ssyncadd.tile.s32 @!p0 $0x1;
	_ =	shalt  }
.Lfunc_end2:
_tile_overlayer_lowered:
.L_overlay_start_2:
0x51: {  	(tag) =	ssettag $0x2  }
0x52: {  	s0 =	rddreg [dreg:$0x0];
	s2 =	stileid.u32  }
0x53: {  	s1 =	rddreg [dreg:$0x1];
	p0 =	sne.s32 s2, $0x0  }
0x54: {  	s3 =	rddreg [dreg:$0x2];
	[bflag:$0x3] =	sbarrier.arrive $0xFFFF;
	s2 =	simm.s32 @!p0 $0x1C09  }
0x55: {  	[timem:s3], [sflag:s2] =	dma.local @!p0 [hbm:s0], s1  }
0x56: {  	s0 =	simm.s32 @!p0 $0x9  }
0x57: {  	_ =	swait.ge @!p0 [sflag:s0], s1  }
0x58: {  	s1 =	ssub.s32 @!p0 $0x0, s1;
	[sflag:s0] =	ssyncset.done @!p0 $0x0  }
0x59: {  	[sflag:s0] =	ssyncadd.s32 @!p0 s1  }
0x5a: {  	[bflag:$0x3] =	sbarrier.arrive $0xFFFF  }
0x5b: {  	_ =	shalt  }

// kernel: kernel.16.cloned.1.call-start
scs
__scs_entry_jumppad:
0x0: {  	(pc) =	sbr.rel $0x88, $3  }
0x1: {  	(tag) =	ssettag $0x0;
	lr =	simm.s32 $0x1  }
0x2: {  	[smem:$0x3F97] =	sst lr;
	_ =	strace $0xD0000000  }
0x3: {  	_ = 	snop  }
0x4: {  	_ = 	snop  }
0x5: {  	_ = 	snop  }
0x6: {  	_ = 	snop  }
0x7: {  	_ = 	snop  }
__scs_overlays_trampoline_lowered:
0x8: {  	[smem:$0x3FA6] =	sst s0  }
0x9: {  	[smem:$0x3FA7] =	sst s1  }
0xa: {  	[smem:$0x3FA8] =	sst s2  }
0xb: {  	[smem:$0x3FA9] =	sst s3  }
0xc: {  	[smem:$0x3FAA] =	sst s4  }
0xd: {  	[smem:$0x3FAB] =	sst s5  }
0xe: {  	[smem:$0x3FAC] =	sst s6  }
0xf: {  	[smem:$0x3FAD] =	sst s7  }
0x10: {  	[smem:$0x3FAE] =	sst s8  }
0x11: {  	[smem:$0x3FAF] =	sst s9;
	s0 =	simm.s32 @!p0 $0x0  }
0x12: {  	s1 =	sld [smem:$0x3F95];
	s0 =	simm.s32 @p0 $0x1  }
0x13: {  	[smem:$0x3FB0] =	sst s0;
	s0 =	simm.s32 @!p1 $0x0  }
0x14: {  	s2 =	sld [smem:$0x3F94];
	s0 =	simm.s32 @p1 $0x1  }
0x15: {  	[smem:$0x3FB1] =	sst s0;
	s0 =	simm.s32 @!p2 $0x0  }
0x16: {  	s3 =	sld [smem:$0x3FDB];
	s0 =	simm.s32 @p2 $0x1  }
0x17: {  	s4 =	simm.s32 $0x1BF5;
	[smem:$0x3FB3] =	sst s0  }
0x18: {  	s0 =	sld [smem:$0x3F96];
	_ =	swait.ge [sflag:s4], $0x0  }
0x19: {  	s7 =	sld [smem:$0x3F97]  }
0x1a: {  	s8 =	sadd.s32 $0xFFFFE003, lr  }
0x1b: {  	s9 =	sadd.s32 $0xFFFFFEF7, lr;
	s5 =	simm.s32 $0xFFFFFFFF;
	p2 =	slt.u32 s8, $0xFFFFF086  }
0x1c: {  	p1 =	slt.u32 s9, $0xF7A;
	s5 =	simm.s32 @!p2 $0x0  }
0x1d: {  	s5 =	simm.s32 @p1 $0x1;
	p0 =	seq.s32 s7, s2  }
0x1e: {  	s7 =	smul.u32 @!p0 $0xF7A, s2;
	p2 =	seq.s32 @!p0 s5, $0x0  }
0x1f: {  	s9 =	smul.u32 $0xF7A, s1;
	s8 =	simm.s32 @!p0 $0x1BF5;
	p2 =	por !p2, p0  }
0x20: {  	[sflag:s8] =	ssyncset.s32 @!p0 $0xFFFFF086;
	s6 =	sadd.s32 @!p0 s3, s7;
	s7 =	simm.s32 @!p0 $0x108  }
0x21: {  	s3 =	sadd.s32 s3, s9;
	s6 =	sadd.s32 @!p0 $0x88, s6;
	s7 =	simm.s32 @p2 $0x1082  }
0x22: {  	[simem:s7], [sflag:s8] =	dma.local @!p0 [hbm:s6], $0xF7A  }
0x23: {  	s9 =	sor.u32 $0xD0000000, s2;
	s6 =	simm.s32 $0x108;
	_ =	swait.ge @!p0 [sflag:s8], $0x0  }
0x24: {  	s3 =	sadd.s32 $0x88, s3;
	s6 =	simm.s32 @!p1 $0x1082;
	[sflag:s4] =	ssyncset.s32 $0xFFFFF086  }
0x25: {  	[simem:s6], [sflag:s4] =	dma.local [hbm:s3], $0xF7A  }
0x26: {  	[smem:$0x3F97] =	sst s1;
	(tag) =	ssettag s2;
	_ =	strace s9  }
0x27: {  	s1 =	sld [smem:$0x3FA7]  }
0x28: {  	s2 =	sld [smem:$0x3FA8]  }
0x29: {  	s4 =	sld [smem:$0x3FAA]  }
0x2a: {  	p0 =	seq.s32 s5, $0x0;
	s5 =	sld [smem:$0x3FAB]  }
0x2b: {  	s6 =	sld [smem:$0x3FAC]  }
0x2c: {  	s7 =	sld [smem:$0x3FAD]  }
0x2d: {  	s3 =	simm.s32 $0x108;
	s8 =	sld [smem:$0x3FAE]  }
0x2e: {  	s3 =	simm.s32 @!p0 $0x1082;
	s9 =	sld [smem:$0x3FAF]  }
0x2f: {  	lr =	sadd.s32 s0, s3;
	s0 =	sld [smem:$0x3FA6]  }
0x30: {  	s3 =	sld [smem:$0x3FA9]  }
0x31: {  	[smem:$0x3FB2] =	sst s10  }
0x32: {  	s10 =	sld [smem:$0x3FB0];
	_ =	sdelay $0x3  }
0x33: {  	p0 =	seq.s32 s10, $0x1;
	s10 =	sld [smem:$0x3FB2];
	_ =	sdelay $0x3  }
0x34: {  	[smem:$0x3FB2] =	sst s10  }
0x35: {  	s10 =	sld [smem:$0x3FB1];
	_ =	sdelay $0x3  }
0x36: {  	p1 =	seq.s32 s10, $0x1;
	s10 =	sld [smem:$0x3FB2];
	_ =	sdelay $0x3  }
0x37: {  	[smem:$0x3FB2] =	sst s10  }
0x38: {  	s10 =	sld [smem:$0x3FB3]  }
0x39: {  	_ = 	snop;
	(pc) =	sbr.ind lr, $3  }
0x3a: {  	_ = 	snop  }
0x3b: {  	_ = 	snop  }
0x3c: {  	p2 =	seq.s32 s10, $0x1;
	s10 =	sld [smem:$0x3FB2]  }
0x3d: {  	_ =	shalt  }
0x3e: {  	_ =	shalt  }
0x3f: {  	_ =	shalt  }
0x40: {  	_ =	shalt  }
0x41: {  	_ =	shalt  }
0x42: {  	_ =	shalt  }
0x43: {  	_ =	shalt  }
0x44: {  	_ =	shalt  }
0x45: {  	_ =	shalt  }
0x46: {  	_ =	shalt  }
0x47: {  	_ =	shalt  }
0x48: {  	_ =	shalt  }
0x49: {  	_ =	shalt  }
0x4a: {  	_ =	shalt  }
0x4b: {  	_ =	shalt  }
0x4c: {  	_ =	shalt  }
0x4d: {  	_ =	shalt  }
0x4e: {  	_ =	shalt  }
0x4f: {  	_ =	shalt  }
0x50: {  	_ =	shalt  }
0x51: {  	_ =	shalt  }
0x52: {  	_ =	shalt  }
0x53: {  	_ =	shalt  }
0x54: {  	_ =	shalt  }
0x55: {  	_ =	shalt  }
0x56: {  	_ =	shalt  }
0x57: {  	_ =	shalt  }
0x58: {  	_ =	shalt  }
0x59: {  	_ =	shalt  }
0x5a: {  	_ =	shalt  }
0x5b: {  	_ =	shalt  }
0x5c: {  	_ =	shalt  }
0x5d: {  	_ =	shalt  }
0x5e: {  	_ =	shalt  }
0x5f: {  	_ =	shalt  }
0x60: {  	_ =	shalt  }
0x61: {  	_ =	shalt  }
0x62: {  	_ =	shalt  }
0x63: {  	_ =	shalt  }
0x64: {  	_ =	shalt  }
0x65: {  	_ =	shalt  }
0x66: {  	_ =	shalt  }
0x67: {  	_ =	shalt  }
0x68: {  	_ =	shalt  }
0x69: {  	_ =	shalt  }
0x6a: {  	_ =	shalt  }
0x6b: {  	_ =	shalt  }
0x6c: {  	_ =	shalt  }
0x6d: {  	_ =	shalt  }
0x6e: {  	_ =	shalt  }
0x6f: {  	_ =	shalt  }
0x70: {  	_ =	shalt  }
0x71: {  	_ =	shalt  }
0x72: {  	_ =	shalt  }
0x73: {  	_ =	shalt  }
0x74: {  	_ =	shalt  }
0x75: {  	_ =	shalt  }
0x76: {  	_ =	shalt  }
0x77: {  	_ =	shalt  }
0x78: {  	_ =	shalt  }
0x79: {  	_ =	shalt  }
0x7a: {  	_ =	shalt  }
0x7b: {  	_ =	shalt  }
0x7c: {  	_ =	shalt  }
0x7d: {  	_ =	shalt  }
0x7e: {  	_ =	shalt  }
0x7f: {  	_ =	shalt  }
0x80: {  	_ =	shalt  }
0x81: {  	_ =	shalt  }
0x82: {  	_ =	shalt  }
0x83: {  	_ =	shalt  }
0x84: {  	_ =	shalt  }
0x85: {  	_ =	shalt  }
0x86: {  	_ =	shalt  }
0x87: {  	_ =	shalt  }
.Lfunc_end0:
.L_simem_size_0:
called_computation.2_lowered:
.L_overlay_start_0:
0x88: {  	s2 =	sld [smem:$0x3FD9]  }
0x89: {  	s3 =	sld [smem:$0x3FFE];
	_ =	sdelay $0x1  }
0x8a: {  	s1 =	srdreg.scid  }
0x8b: {  	s0 =	sand.u32 $0x1, s1  }
0x8c: {  	s17 =	sshll.u32 s0, $0xA;
	s2 =	sadd.s32 s3, s2  }
0x8d: {  	s2 =	sadd.s32 s2, s17  }
0x8e: {  	[smem:$0x3FBE] =	sst s2  }
0x8f: {  	_ = 	snop  }
0x90: {  	s18 =	sld [smem:$0x3FC6]  }
0x91: {  	s4 =	sld [smem:$0x3FC5];
	(tm) =	ssettm $0x1  }
0x92: {  	s19 =	sld [smem:$0x3FFB];
	_ =	sdelay $0x3  }
0x93: {  	_ =	strace s19  }
0x94: {  	s2 =	sld [smem:$0x3FFC];
	_ =	sdelay $0x3  }
0x95: {  	_ =	strace s2  }
0x96: {  	s2 =	sld [smem:$0x3FFD];
	_ =	sdelay $0x3  }
0x97: {  	_ =	strace s2  }
0x98: {  	_ =	strace $0x8FFFFFFF  }
0x99: {  	s20 =	sld [smem:$0x3FDB];
	_ =	sdelay $0x1  }
0x9a: {  	s5 =	simm.s32 $_scs_section_size  }
0x9b: {  	s6 =	simm.s32 $_size__tile_overlayer_lowered;
	s7 =	simm.s32 $_tile_overlayer_lowered  }
0x9c: {  	s8 =	simm.s32 $0x1BFF;
	s21 =	sshll.u32 s7, $0x1;
	s5 =	sadd.s32 s5, s20  }
0x9d: {  	s22 =	simm.s32 $0x0;
	s6 =	sshll.u32 s6, $0x1;
	s7 =	sadd.s32 s21, s5  }
0x9e: {  	[timem:s22], [sflag:s8] =	dma.local [hbm:s7], s6  }
0x9f: {  	_ =	swait.ge [sflag:s8], s6  }
0xa0: {  	s6 =	ssub.s32 $0x0, s6;
	[sflag:s8] =	ssyncset.done $0x0  }
0xa1: {  	[sflag:s8] =	ssyncadd.s32 s6;
	_ =	sdelay $0x1  }
0xa2: {  	s23 =	simm.s32 $0x1B8B  }
0xa3: {  	_ =	swait.ge [sflag:s23], $0x1  }
0xa4: {  	[sflag:s23] =	ssyncset.done $0x0  }
0xa5: {  	[sflag:s23] =	ssyncadd.s32 $0xFFFFFFFF  }
0xa6: {  	s6 =	sld [smem:$0x0]  }
0xa7: {  	s7 =	sand.u32 $0xFFFFFFFE, s1  }
0xa8: {  	p0 =	sne.s32 s1, s7  }
0xa9: {  	s7 =	sshll.u32 @p0 s7, $0xE  }
0xaa: {  	s7 =	sadd.s32 @p0 $0x11B8D, s7;
	s8 =	sshll.u32 @p0 s6, $0x11  }
0xab: {  	s7 =	sor.u32 @p0 s8, s7  }
0xac: {  	[sflag:s7] =	ssyncadd.remote.s32 @p0 $0x1;
	_ =	sdelay $0x1  }
0xad: {  	s7 =	simm.s32 @p0 $0x1B8D  }
0xae: {  	_ =	swait.eq @p0 [sflag:s7], $0x1  }
0xaf: {  	[sflag:s7] =	ssyncadd.s32 @p0 $0xFFFFFFFF  }
0xb0: {  	s8 =	sshll.u32 @!p0 s1, $0xE  }
0xb1: {  	s8 =	sor.u32 @!p0 $0x4000, s8;
	s7 =	simm.s32 @!p0 $0x1B8D  }
0xb2: {  	s6 =	sshll.u32 @!p0 s6, $0x11;
	s8 =	sadd.s32 @!p0 $0x11B8D, s8;
	_ =	swait.eq @!p0 [sflag:s7], $0x1  }
0xb3: {  	s6 =	sor.u32 @!p0 s6, s8;
	[sflag:s7] =	ssyncadd.s32 @!p0 $0xFFFFFFFF  }
0xb4: {  	s25 =	simm.s32 $0x1B8E;
	s24 =	sld [smem:$0x3FFE];
	[sflag:s6] =	ssyncadd.remote.s32 @!p0 $0x1  }
0xb5: {  	s26 =	simm.s32 $execute0_lowered;
	[smem:$0x3FD2] =	sst s25  }
0xb6: {  	s7 =	sshll.u32 s26, $0x1;
	_ =	strace $0x8000004C;
	[dreg:$0x1] =	wrdreg $0xFFFFFFFF  }
0xb7: {  	s28 =	simm.s32 $_size_execute0_lowered;
	s5 =	sadd.s32 s5, s7;
	[dreg:$0x0] =	wrdreg $0x0  }
0xb8: {  	s7 =	sshll.u32 s28, $0x1;
	[dreg:$0x2] =	wrdreg s5  }
0xb9: {  	[dreg:$0x3] =	wrdreg s7  }
0xba: {  	[dreg:$0x4] =	wrdreg $0xC0  }
0xbb: {  	_ =	task [dreg:s22], $0x5FFFF  }
0xbc: {  	[dreg:$0x1] =	wrdreg $0xFFFFFFFF  }
0xbd: {  	[dreg:$0x0] =	wrdreg $0x60  }
0xbe: {  	[dreg:$0x2] =	wrdreg s24  }
0xbf: {  	[dreg:$0x3] =	wrdreg s18  }
0xc0: {  	[dreg:$0x4] =	wrdreg s4  }
0xc1: {  	[dreg:$0x5] =	wrdreg $0xB  }
0xc2: {  	_ =	task.clear_ibuf [dreg:s22], $0x6FFFF;
	_ =	strace $0x9000004C  }
0xc3: {  	s29 =	simm.s32 $0xB;
	_ =	strace $0x8000004E  }
0xc4: {  	_ =	swait.ge [sflag:s29], $0x1  }
0xc5: {  	[sflag:s29] =	ssyncadd.s32 $0xFFFFFFFF  }
0xc6: {  	_ =	strace $0x9000004E  }
0xc7: {  	_ =	sfence  }
0xc8: {  	s30 =	sld [smem:$0x0];
	_ =	sdelay $0x2  }
0xc9: {  	s31 =	sshll.u32 s1, $0xD;
	s1 =	sshrl.u32 s1, $0x2  }
0xca: {  	s4 =	sand.u32 $0x4000, s31;
	s1 =	sadd.s32 s1, s30  }
0xcb: {  	s0 =	sor.u32 s4, s0;
	s1 =	sshll.u32 s1, $0x11  }
0xcc: {  	s0 =	sor.u32 s1, s0  }
0xcd: {  	s0 =	sadd.s32 $0x8F2B, s0  }
0xce: {  	[sflag:s0] =	ssyncadd.remote.s32 $0x1  }
0xcf: {  	_ =	sfence.sel $0xFFFF  }
0xd0: {  	[dreg:$0x0] =	wrdreg $0xFFFFFFFF;
	(pc) =	sbr.abs _section_cstart, $3  }
0xd1: {  	[dreg:$0x1] =	wrdreg $0xFFFFFFFF  }
0xd2: {  	_ =	task.clear_ibuf [dreg:s22], $0x2FFFF;
	_ =	strace $0x9FFFFFFF  }
0xd3: {  	(tm) =	ssettm $0x7FFFFFFF  }
tec
execute0_lowered:
.L_overlay_start_1:
0x0: {  	(tag) =	ssettag $0x1  }
0x1: {  	s1 =	srdreg.scid  }
0x2: {  	s0 =	stileid.u32;
	s22 =	sand.u32 $0x1, s1  }
0x3: {  	s16 =	rddreg [dreg:$0x0];
	s31 =	sshll.u32 s0, $0x8;
	s4 =	sshll.u32 s22, $0x7  }
0x4: {  	s2 =	rddreg [dreg:$0x1];
	s17 =	sor.u32 s4, s31  }
0x5: {  	s3 =	rddreg [dreg:$0x2];
	s4 =	simm.s32 $0x0;
	s5 =	sshrl.u32 s17, $0x3  }
0x6: {  	[smem:$0x7FF] =	sst s4;
	s6 =	sadd.s32 s5, s16  }
0x7: {  	s1 =	rddreg [dreg:$0x3];
	_ =	strace $0x8000004D;
	s5 =	sadd.s32 $0x4800, s6  }
0x8: {  	[tilespmem:s4], [sflag:$0x7] =	stream.linear.gather [hbm4b:s5+s4], $0x80, $0x38;
	[tilespmem:$0x8100] =	vst v63  }
0x9: {  	s7 =	simm.s32 $0x80;
	s8 =	simm.s32 $0x7;
	s6 =	sadd.s32 $0x4600, s6  }
0xa: {  	[tilespmem:s7], [sflag:$0x8] =	stream.linear.gather [hbm4b:s6+s4], $0x80, $0x38;
	[tilespmem:$0x8100] =	vst v63  }
0xb: {  	_ =	swait.ge [sflag:s8], $0x80  }
0xc: {  	[sflag:s8] =	ssyncset.done $0x0  }
0xd: {  	s9 =	simm.s32 $0x100;
	s10 =	simm.s32 $0x8;
	[sflag:s8] =	ssyncadd.s32 $0xFFFFFF80  }
0xe: {  	[tilespmem:s9], [sflag:$0x1] =	stream.indirect.gather [hbm4b:s2+s7], $0x80, s4, s7, $0xb8;
	[tilespmem:$0x8100] =	vst v63  }
0xf: {  	_ =	swait.ge [sflag:s10], $0x80  }
0x10: {  	[sflag:s10] =	ssyncset.done $0x0  }
0x11: {  	s11 =	simm.s32 $0x40;
	s12 =	simm.s32 $0x4100;
	[sflag:s10] =	ssyncadd.s32 $0xFFFFFF80  }
0x12: {  	[tilespmem:s12], [sflag:$0x2] =	stream.indirect.gather [hbm4b:s3+s11], $0x80, s7, s11, $0xb8;
	[tilespmem:$0x8100] =	vst v63  }
0x13: {  	s13 =	simm.s32 $0xC0;
	s14 =	simm.s32 $0x6100;
	s15 =	simm.s32 $0x1  }
0x14: {  	[tilespmem:s14], [sflag:$0x3] =	stream.indirect.gather [hbm4b:s3+s11], $0x80, s13, s11, $0xb8;
	[tilespmem:$0x8100] =	vst v63  }
0x15: {  	s17 =	sshll.u32 s17, $0x4;
	_ =	swait.ge [sflag:s15], $0x4000  }
0x16: {  	s20 =	sadd.s32 s17, s16;
	[sflag:s15] =	ssyncset.done $0x0  }
0x17: {  	s17 =	simm.s32 $0x2;
	s16 =	sadd.s32 $0x34E00, s20;
	[sflag:s15] =	ssyncadd.s32 $0xFFFFC000  }
0x18: {  	[hbm4b:s16+s4] =	stream.linear.scatter [tilespmem:s9], [sflag:$0x4], $0x4000, $0x38;
	[tilespmem:$0x8100] =	vst v63  }
0x19: {  	_ =	swait.ge [sflag:s17], $0x2000  }
0x1a: {  	[sflag:s17] =	ssyncset.done $0x0  }
0x1b: {  	s19 =	simm.s32 $0x3;
	s18 =	sadd.s32 $0x44E00, s20;
	[sflag:s17] =	ssyncadd.s32 $0xFFFFE000  }
0x1c: {  	[hbm4b:s18+s4] =	stream.linear.scatter [tilespmem:s12], [sflag:$0x5], $0x2000, $0x38;
	[tilespmem:$0x8100] =	vst v63  }
0x1d: {  	_ =	swait.ge [sflag:s19], $0x2000  }
0x1e: {  	s21 =	simm.s32 $0x4;
	s23 =	ssub.s32 $0x2, s22;
	[sflag:s19] =	ssyncset.done $0x0  }
0x1f: {  	s24 =	sshrl.u32 s23, $0x1;
	s20 =	sadd.s32 $0x45200, s20;
	[sflag:s19] =	ssyncadd.s32 $0xFFFFE000  }
0x20: {  	[hbm4b:s20+s4] =	stream.linear.scatter [tilespmem:s14], [sflag:$0x6], $0x2000, $0x38;
	[tilespmem:$0x8100] =	vst v63  }
0x21: {  	s23 =	ssub.s32 s23, s24;
	_ =	swait.ge [sflag:s21], $0x4000  }
0x22: {  	s24 =	smax.u32 s23, $0x1;
	[sflag:s21] =	ssyncset.done $0x0  }
0x23: {  	s22 =	simm.s32 $0x5;
	p0 =	sne.s32 s24, $0x1;
	[sflag:s21] =	ssyncadd.s32 $0xFFFFC000  }
.Ltmp0:
0x24: {  	_ =	swait.ge [sflag:s22], $0x2000;
	(pc) =	sbr.rel @!p0 .LBB2_2-.Ltmp0, $4  }
0x25: {  	[sflag:s22] =	ssyncset.done $0x0  }
0x26: {  	s23 =	simm.s32 $0x6;
	[sflag:s22] =	ssyncadd.s32 $0xFFFFE000  }
0x27: {  	_ =	swait.ge [sflag:s23], $0x2000  }
0x28: {  	s24 =	sadd.s32 $0xFFFFFFFF, s24;
	[sflag:s23] =	ssyncset.done $0x0  }
.LBB2_1:
0x29: {  	p0 =	sne.s32 s24, $0x1;
	s24 =	sadd.s32 $0xFFFFFFFF, s24;
	[sflag:s23] =	ssyncadd.s32 $0xFFFFE000  }
0x2a: {  	[tilespmem:s4], [sflag:$0x7] =	stream.linear.gather [hbm4b:s5+s4], $0x80, $0x38;
	[tilespmem:$0x8100] =	vst v63  }
0x2b: {  	_ = 	snop  }
0x2c: {  	[tilespmem:s7], [sflag:$0x8] =	stream.linear.gather [hbm4b:s6+s4], $0x80, $0x38;
	[tilespmem:$0x8100] =	vst v63  }
0x2d: {  	_ =	swait.ge [sflag:s8], $0x80  }
0x2e: {  	[sflag:s8] =	ssyncset.done $0x0  }
0x2f: {  	[sflag:s8] =	ssyncadd.s32 $0xFFFFFF80  }
0x30: {  	[tilespmem:s9], [sflag:$0x1] =	stream.indirect.gather [hbm4b:s2+s7], $0x80, s4, s7, $0xb8;
	[tilespmem:$0x8100] =	vst v63  }
0x31: {  	_ =	swait.ge [sflag:s10], $0x80  }
0x32: {  	[sflag:s10] =	ssyncset.done $0x0  }
0x33: {  	[sflag:s10] =	ssyncadd.s32 $0xFFFFFF80  }
0x34: {  	[tilespmem:s12], [sflag:$0x2] =	stream.indirect.gather [hbm4b:s3+s11], $0x80, s7, s11, $0xb8;
	[tilespmem:$0x8100] =	vst v63  }
0x35: {  	_ = 	snop  }
0x36: {  	[tilespmem:s14], [sflag:$0x3] =	stream.indirect.gather [hbm4b:s3+s11], $0x80, s13, s11, $0xb8;
	[tilespmem:$0x8100] =	vst v63  }
0x37: {  	_ =	swait.ge [sflag:s15], $0x4000  }
0x38: {  	[sflag:s15] =	ssyncset.done $0x0  }
0x39: {  	[sflag:s15] =	ssyncadd.s32 $0xFFFFC000  }
0x3a: {  	[hbm4b:s16+s4] =	stream.linear.scatter [tilespmem:s9], [sflag:$0x4], $0x4000, $0x38;
	[tilespmem:$0x8100] =	vst v63  }
0x3b: {  	_ =	swait.ge [sflag:s17], $0x2000  }
0x3c: {  	[sflag:s17] =	ssyncset.done $0x0  }
0x3d: {  	[sflag:s17] =	ssyncadd.s32 $0xFFFFE000  }
0x3e: {  	[hbm4b:s18+s4] =	stream.linear.scatter [tilespmem:s12], [sflag:$0x5], $0x2000, $0x38;
	[tilespmem:$0x8100] =	vst v63  }
0x3f: {  	_ =	swait.ge [sflag:s19], $0x2000  }
0x40: {  	[sflag:s19] =	ssyncset.done $0x0  }
0x41: {  	[sflag:s19] =	ssyncadd.s32 $0xFFFFE000  }
0x42: {  	[hbm4b:s20+s4] =	stream.linear.scatter [tilespmem:s14], [sflag:$0x6], $0x2000, $0x38;
	[tilespmem:$0x8100] =	vst v63  }
0x43: {  	_ =	swait.ge [sflag:s21], $0x4000  }
0x44: {  	[sflag:s21] =	ssyncset.done $0x0  }
0x45: {  	[sflag:s21] =	ssyncadd.s32 $0xFFFFC000  }
.Ltmp1:
0x46: {  	_ =	swait.ge [sflag:s22], $0x2000;
	(pc) =	sbr.rel @p0 .LBB2_1-.Ltmp1, $4  }
0x47: {  	[sflag:s22] =	ssyncset.done $0x0  }
0x48: {  	[sflag:s22] =	ssyncadd.s32 $0xFFFFE000  }
0x49: {  	_ =	swait.ge [sflag:s23], $0x2000  }
0x4a: {  	[sflag:s23] =	ssyncset.done $0x0  }
.LBB2_2:
0x4b: {  	[sflag:s23] =	ssyncadd.s32 $0xFFFFE000  }
0x4c: {  	_ =	sfence.sel $0x180000  }
0x4d: {  	[bflag:$0x0] =	sbarrier.arrive $0xFFFF  }
0x4e: {  	p0 =	sne.s32 s0, $0x0;
	_ =	strace $0x9000004D  }
0x4f: {  	s0 =	sadd.s32 @!p0 $0x100000, s1;
	[bflag:$0x2] =	sbarrier.arrive $0xFFFF  }
0x50: {  	[sflag:s0] =	ssyncadd.tile.s32 @!p0 $0x1;
	_ =	shalt  }
.Lfunc_end2:
_tile_overlayer_lowered:
.L_overlay_start_2:
0x51: {  	(tag) =	ssettag $0x2  }
0x52: {  	s0 =	rddreg [dreg:$0x0];
	s2 =	stileid.u32  }
0x53: {  	s1 =	rddreg [dreg:$0x1];
	p0 =	sne.s32 s2, $0x0  }
0x54: {  	s3 =	rddreg [dreg:$0x2];
	[bflag:$0x3] =	sbarrier.arrive $0xFFFF;
	s2 =	simm.s32 @!p0 $0x1C09  }
0x55: {  	[timem:s3], [sflag:s2] =	dma.local @!p0 [hbm:s0], s1  }
0x56: {  	s0 =	simm.s32 @!p0 $0x9  }
0x57: {  	_ =	swait.ge @!p0 [sflag:s0], s1  }
0x58: {  	s1 =	ssub.s32 @!p0 $0x0, s1;
	[sflag:s0] =	ssyncset.done @!p0 $0x0  }
0x59: {  	[sflag:s0] =	ssyncadd.s32 @!p0 s1  }
0x5a: {  	[bflag:$0x3] =	sbarrier.arrive $0xFFFF  }
0x5b: {  	_ =	shalt  }

// kernel: kernel.19.cloned.1.call-start
scs
__scs_entry_jumppad:
0x0: {  	(pc) =	sbr.rel $0x88, $3  }
0x1: {  	(tag) =	ssettag $0x0;
	lr =	simm.s32 $0x1  }
0x2: {  	[smem:$0x3F97] =	sst lr;
	_ =	strace $0xD0000000  }
0x3: {  	_ = 	snop  }
0x4: {  	_ = 	snop  }
0x5: {  	_ = 	snop  }
0x6: {  	_ = 	snop  }
0x7: {  	_ = 	snop  }
__scs_overlays_trampoline_lowered:
0x8: {  	[smem:$0x3FA6] =	sst s0  }
0x9: {  	[smem:$0x3FA7] =	sst s1  }
0xa: {  	[smem:$0x3FA8] =	sst s2  }
0xb: {  	[smem:$0x3FA9] =	sst s3  }
0xc: {  	[smem:$0x3FAA] =	sst s4  }
0xd: {  	[smem:$0x3FAB] =	sst s5  }
0xe: {  	[smem:$0x3FAC] =	sst s6  }
0xf: {  	[smem:$0x3FAD] =	sst s7  }
0x10: {  	[smem:$0x3FAE] =	sst s8  }
0x11: {  	[smem:$0x3FAF] =	sst s9;
	s0 =	simm.s32 @!p0 $0x0  }
0x12: {  	s1 =	sld [smem:$0x3F95];
	s0 =	simm.s32 @p0 $0x1  }
0x13: {  	[smem:$0x3FB0] =	sst s0;
	s0 =	simm.s32 @!p1 $0x0  }
0x14: {  	s2 =	sld [smem:$0x3F94];
	s0 =	simm.s32 @p1 $0x1  }
0x15: {  	[smem:$0x3FB1] =	sst s0;
	s0 =	simm.s32 @!p2 $0x0  }
0x16: {  	s3 =	sld [smem:$0x3FDB];
	s0 =	simm.s32 @p2 $0x1  }
0x17: {  	s4 =	simm.s32 $0x1BF5;
	[smem:$0x3FB3] =	sst s0  }
0x18: {  	s0 =	sld [smem:$0x3F96];
	_ =	swait.ge [sflag:s4], $0x0  }
0x19: {  	s7 =	sld [smem:$0x3F97]  }
0x1a: {  	s8 =	sadd.s32 $0xFFFFE003, lr  }
0x1b: {  	s9 =	sadd.s32 $0xFFFFFEF7, lr;
	s5 =	simm.s32 $0xFFFFFFFF;
	p2 =	slt.u32 s8, $0xFFFFF086  }
0x1c: {  	p1 =	slt.u32 s9, $0xF7A;
	s5 =	simm.s32 @!p2 $0x0  }
0x1d: {  	s5 =	simm.s32 @p1 $0x1;
	p0 =	seq.s32 s7, s2  }
0x1e: {  	s7 =	smul.u32 @!p0 $0xF7A, s2;
	p2 =	seq.s32 @!p0 s5, $0x0  }
0x1f: {  	s9 =	smul.u32 $0xF7A, s1;
	s8 =	simm.s32 @!p0 $0x1BF5;
	p2 =	por !p2, p0  }
0x20: {  	[sflag:s8] =	ssyncset.s32 @!p0 $0xFFFFF086;
	s6 =	sadd.s32 @!p0 s3, s7;
	s7 =	simm.s32 @!p0 $0x108  }
0x21: {  	s3 =	sadd.s32 s3, s9;
	s6 =	sadd.s32 @!p0 $0x88, s6;
	s7 =	simm.s32 @p2 $0x1082  }
0x22: {  	[simem:s7], [sflag:s8] =	dma.local @!p0 [hbm:s6], $0xF7A  }
0x23: {  	s9 =	sor.u32 $0xD0000000, s2;
	s6 =	simm.s32 $0x108;
	_ =	swait.ge @!p0 [sflag:s8], $0x0  }
0x24: {  	s3 =	sadd.s32 $0x88, s3;
	s6 =	simm.s32 @!p1 $0x1082;
	[sflag:s4] =	ssyncset.s32 $0xFFFFF086  }
0x25: {  	[simem:s6], [sflag:s4] =	dma.local [hbm:s3], $0xF7A  }
0x26: {  	[smem:$0x3F97] =	sst s1;
	(tag) =	ssettag s2;
	_ =	strace s9  }
0x27: {  	s1 =	sld [smem:$0x3FA7]  }
0x28: {  	s2 =	sld [smem:$0x3FA8]  }
0x29: {  	s4 =	sld [smem:$0x3FAA]  }
0x2a: {  	p0 =	seq.s32 s5, $0x0;
	s5 =	sld [smem:$0x3FAB]  }
0x2b: {  	s6 =	sld [smem:$0x3FAC]  }
0x2c: {  	s7 =	sld [smem:$0x3FAD]  }
0x2d: {  	s3 =	simm.s32 $0x108;
	s8 =	sld [smem:$0x3FAE]  }
0x2e: {  	s3 =	simm.s32 @!p0 $0x1082;
	s9 =	sld [smem:$0x3FAF]  }
0x2f: {  	lr =	sadd.s32 s0, s3;
	s0 =	sld [smem:$0x3FA6]  }
0x30: {  	s3 =	sld [smem:$0x3FA9]  }
0x31: {  	[smem:$0x3FB2] =	sst s10  }
0x32: {  	s10 =	sld [smem:$0x3FB0];
	_ =	sdelay $0x3  }
0x33: {  	p0 =	seq.s32 s10, $0x1;
	s10 =	sld [smem:$0x3FB2];
	_ =	sdelay $0x3  }
0x34: {  	[smem:$0x3FB2] =	sst s10  }
0x35: {  	s10 =	sld [smem:$0x3FB1];
	_ =	sdelay $0x3  }
0x36: {  	p1 =	seq.s32 s10, $0x1;
	s10 =	sld [smem:$0x3FB2];
	_ =	sdelay $0x3  }
0x37: {  	[smem:$0x3FB2] =	sst s10  }
0x38: {  	s10 =	sld [smem:$0x3FB3]  }
0x39: {  	_ = 	snop;
	(pc) =	sbr.ind lr, $3  }
0x3a: {  	_ = 	snop  }
0x3b: {  	_ = 	snop  }
0x3c: {  	p2 =	seq.s32 s10, $0x1;
	s10 =	sld [smem:$0x3FB2]  }
0x3d: {  	_ =	shalt  }
0x3e: {  	_ =	shalt  }
0x3f: {  	_ =	shalt  }
0x40: {  	_ =	shalt  }
0x41: {  	_ =	shalt  }
0x42: {  	_ =	shalt  }
0x43: {  	_ =	shalt  }
0x44: {  	_ =	shalt  }
0x45: {  	_ =	shalt  }
0x46: {  	_ =	shalt  }
0x47: {  	_ =	shalt  }
0x48: {  	_ =	shalt  }
0x49: {  	_ =	shalt  }
0x4a: {  	_ =	shalt  }
0x4b: {  	_ =	shalt  }
0x4c: {  	_ =	shalt  }
0x4d: {  	_ =	shalt  }
0x4e: {  	_ =	shalt  }
0x4f: {  	_ =	shalt  }
0x50: {  	_ =	shalt  }
0x51: {  	_ =	shalt  }
0x52: {  	_ =	shalt  }
0x53: {  	_ =	shalt  }
0x54: {  	_ =	shalt  }
0x55: {  	_ =	shalt  }
0x56: {  	_ =	shalt  }
0x57: {  	_ =	shalt  }
0x58: {  	_ =	shalt  }
0x59: {  	_ =	shalt  }
0x5a: {  	_ =	shalt  }
0x5b: {  	_ =	shalt  }
0x5c: {  	_ =	shalt  }
0x5d: {  	_ =	shalt  }
0x5e: {  	_ =	shalt  }
0x5f: {  	_ =	shalt  }
0x60: {  	_ =	shalt  }
0x61: {  	_ =	shalt  }
0x62: {  	_ =	shalt  }
0x63: {  	_ =	shalt  }
0x64: {  	_ =	shalt  }
0x65: {  	_ =	shalt  }
0x66: {  	_ =	shalt  }
0x67: {  	_ =	shalt  }
0x68: {  	_ =	shalt  }
0x69: {  	_ =	shalt  }
0x6a: {  	_ =	shalt  }
0x6b: {  	_ =	shalt  }
0x6c: {  	_ =	shalt  }
0x6d: {  	_ =	shalt  }
0x6e: {  	_ =	shalt  }
0x6f: {  	_ =	shalt  }
0x70: {  	_ =	shalt  }
0x71: {  	_ =	shalt  }
0x72: {  	_ =	shalt  }
0x73: {  	_ =	shalt  }
0x74: {  	_ =	shalt  }
0x75: {  	_ =	shalt  }
0x76: {  	_ =	shalt  }
0x77: {  	_ =	shalt  }
0x78: {  	_ =	shalt  }
0x79: {  	_ =	shalt  }
0x7a: {  	_ =	shalt  }
0x7b: {  	_ =	shalt  }
0x7c: {  	_ =	shalt  }
0x7d: {  	_ =	shalt  }
0x7e: {  	_ =	shalt  }
0x7f: {  	_ =	shalt  }
0x80: {  	_ =	shalt  }
0x81: {  	_ =	shalt  }
0x82: {  	_ =	shalt  }
0x83: {  	_ =	shalt  }
0x84: {  	_ =	shalt  }
0x85: {  	_ =	shalt  }
0x86: {  	_ =	shalt  }
0x87: {  	_ =	shalt  }
.Lfunc_end0:
.L_simem_size_0:
called_computation.3_lowered:
.L_overlay_start_0:
0x88: {  	s2 =	sld [smem:$0x3FD9]  }
0x89: {  	s3 =	sld [smem:$0x3FFE];
	_ =	sdelay $0x1  }
0x8a: {  	s1 =	srdreg.scid  }
0x8b: {  	s0 =	sand.u32 $0x1, s1  }
0x8c: {  	s17 =	sshll.u32 s0, $0xA;
	s2 =	sadd.s32 s3, s2  }
0x8d: {  	s2 =	sadd.s32 s2, s17  }
0x8e: {  	[smem:$0x3FBE] =	sst s2  }
0x8f: {  	_ = 	snop  }
0x90: {  	s18 =	sld [smem:$0x3FC6]  }
0x91: {  	s4 =	sld [smem:$0x3FC5];
	(tm) =	ssettm $0x1  }
0x92: {  	s19 =	sld [smem:$0x3FFB];
	_ =	sdelay $0x3  }
0x93: {  	_ =	strace s19  }
0x94: {  	s2 =	sld [smem:$0x3FFC];
	_ =	sdelay $0x3  }
0x95: {  	_ =	strace s2  }
0x96: {  	s2 =	sld [smem:$0x3FFD];
	_ =	sdelay $0x3  }
0x97: {  	_ =	strace s2  }
0x98: {  	_ =	strace $0x8FFFFFFF  }
0x99: {  	s20 =	sld [smem:$0x3FDB];
	_ =	sdelay $0x1  }
0x9a: {  	s5 =	simm.s32 $_scs_section_size  }
0x9b: {  	s6 =	simm.s32 $_size__tile_overlayer_lowered;
	s7 =	simm.s32 $_tile_overlayer_lowered  }
0x9c: {  	s8 =	simm.s32 $0x1BFF;
	s21 =	sshll.u32 s7, $0x1;
	s5 =	sadd.s32 s5, s20  }
0x9d: {  	s22 =	simm.s32 $0x0;
	s6 =	sshll.u32 s6, $0x1;
	s7 =	sadd.s32 s21, s5  }
0x9e: {  	[timem:s22], [sflag:s8] =	dma.local [hbm:s7], s6  }
0x9f: {  	_ =	swait.ge [sflag:s8], s6  }
0xa0: {  	s6 =	ssub.s32 $0x0, s6;
	[sflag:s8] =	ssyncset.done $0x0  }
0xa1: {  	[sflag:s8] =	ssyncadd.s32 s6;
	_ =	sdelay $0x1  }
0xa2: {  	s23 =	simm.s32 $0x1B8B  }
0xa3: {  	_ =	swait.ge [sflag:s23], $0x1  }
0xa4: {  	[sflag:s23] =	ssyncset.done $0x0  }
0xa5: {  	[sflag:s23] =	ssyncadd.s32 $0xFFFFFFFF  }
0xa6: {  	s6 =	sld [smem:$0x0]  }
0xa7: {  	s7 =	sand.u32 $0xFFFFFFFE, s1  }
0xa8: {  	p0 =	sne.s32 s1, s7  }
0xa9: {  	s7 =	sshll.u32 @p0 s7, $0xE  }
0xaa: {  	s7 =	sadd.s32 @p0 $0x11B8D, s7;
	s8 =	sshll.u32 @p0 s6, $0x11  }
0xab: {  	s7 =	sor.u32 @p0 s8, s7  }
0xac: {  	[sflag:s7] =	ssyncadd.remote.s32 @p0 $0x1;
	_ =	sdelay $0x1  }
0xad: {  	s7 =	simm.s32 @p0 $0x1B8D  }
0xae: {  	_ =	swait.eq @p0 [sflag:s7], $0x1  }
0xaf: {  	[sflag:s7] =	ssyncadd.s32 @p0 $0xFFFFFFFF  }
0xb0: {  	s8 =	sshll.u32 @!p0 s1, $0xE  }
0xb1: {  	s8 =	sor.u32 @!p0 $0x4000, s8;
	s7 =	simm.s32 @!p0 $0x1B8D  }
0xb2: {  	s6 =	sshll.u32 @!p0 s6, $0x11;
	s8 =	sadd.s32 @!p0 $0x11B8D, s8;
	_ =	swait.eq @!p0 [sflag:s7], $0x1  }
0xb3: {  	s6 =	sor.u32 @!p0 s6, s8;
	[sflag:s7] =	ssyncadd.s32 @!p0 $0xFFFFFFFF  }
0xb4: {  	s25 =	simm.s32 $0x1B8E;
	s24 =	sld [smem:$0x3FFE];
	[sflag:s6] =	ssyncadd.remote.s32 @!p0 $0x1  }
0xb5: {  	s26 =	simm.s32 $execute0_lowered;
	[smem:$0x3FD2] =	sst s25  }
0xb6: {  	s7 =	sshll.u32 s26, $0x1;
	_ =	strace $0x8000004F;
	[dreg:$0x1] =	wrdreg $0xFFFFFFFF  }
0xb7: {  	s28 =	simm.s32 $_size_execute0_lowered;
	s5 =	sadd.s32 s5, s7;
	[dreg:$0x0] =	wrdreg $0x0  }
0xb8: {  	s7 =	sshll.u32 s28, $0x1;
	[dreg:$0x2] =	wrdreg s5  }
0xb9: {  	[dreg:$0x3] =	wrdreg s7  }
0xba: {  	[dreg:$0x4] =	wrdreg $0xC0  }
0xbb: {  	_ =	task [dreg:s22], $0x5FFFF  }
0xbc: {  	[dreg:$0x1] =	wrdreg $0xFFFFFFFF  }
0xbd: {  	[dreg:$0x0] =	wrdreg $0x60  }
0xbe: {  	[dreg:$0x2] =	wrdreg s24  }
0xbf: {  	[dreg:$0x3] =	wrdreg s18  }
0xc0: {  	[dreg:$0x4] =	wrdreg s4  }
0xc1: {  	[dreg:$0x5] =	wrdreg $0xC  }
0xc2: {  	_ =	task.clear_ibuf [dreg:s22], $0x6FFFF;
	_ =	strace $0x9000004F  }
0xc3: {  	s29 =	simm.s32 $0xC;
	_ =	strace $0x80000051  }
0xc4: {  	_ =	swait.ge [sflag:s29], $0x1  }
0xc5: {  	[sflag:s29] =	ssyncadd.s32 $0xFFFFFFFF  }
0xc6: {  	_ =	strace $0x90000051  }
0xc7: {  	_ =	sfence  }
0xc8: {  	s30 =	sld [smem:$0x0];
	_ =	sdelay $0x2  }
0xc9: {  	s31 =	sshll.u32 s1, $0xD;
	s1 =	sshrl.u32 s1, $0x2  }
0xca: {  	s4 =	sand.u32 $0x4000, s31;
	s1 =	sadd.s32 s1, s30  }
0xcb: {  	s0 =	sor.u32 s4, s0;
	s1 =	sshll.u32 s1, $0x11  }
0xcc: {  	s0 =	sor.u32 s1, s0  }
0xcd: {  	s0 =	sadd.s32 $0x8F2B, s0  }
0xce: {  	[sflag:s0] =	ssyncadd.remote.s32 $0x1  }
0xcf: {  	_ =	sfence.sel $0xFFFF  }
0xd0: {  	[dreg:$0x0] =	wrdreg $0xFFFFFFFF;
	(pc) =	sbr.abs _section_cstart, $3  }
0xd1: {  	[dreg:$0x1] =	wrdreg $0xFFFFFFFF  }
0xd2: {  	_ =	task.clear_ibuf [dreg:s22], $0x2FFFF;
	_ =	strace $0x9FFFFFFF  }
0xd3: {  	(tm) =	ssettm $0x7FFFFFFF  }
tec
execute0_lowered:
.L_overlay_start_1:
0x0: {  	(tag) =	ssettag $0x1  }
0x1: {  	s1 =	srdreg.scid  }
0x2: {  	s0 =	stileid.u32;
	s22 =	sand.u32 $0x1, s1  }
0x3: {  	s16 =	rddreg [dreg:$0x0];
	s31 =	sshll.u32 s0, $0x8;
	s4 =	sshll.u32 s22, $0x7  }
0x4: {  	s2 =	rddreg [dreg:$0x1];
	s17 =	sor.u32 s4, s31  }
0x5: {  	s3 =	rddreg [dreg:$0x2];
	s4 =	simm.s32 $0x0;
	s5 =	sshrl.u32 s17, $0x3  }
0x6: {  	[smem:$0x7FF] =	sst s4;
	s6 =	sadd.s32 s5, s16  }
0x7: {  	s1 =	rddreg [dreg:$0x3];
	_ =	strace $0x80000050;
	s5 =	sadd.s32 $0x4C00, s6  }
0x8: {  	[tilespmem:s4], [sflag:$0x7] =	stream.linear.gather [hbm4b:s5+s4], $0x80, $0x38;
	[tilespmem:$0x8100] =	vst v63  }
0x9: {  	s7 =	simm.s32 $0x80;
	s8 =	simm.s32 $0x7;
	s6 =	sadd.s32 $0x4A00, s6  }
0xa: {  	[tilespmem:s7], [sflag:$0x8] =	stream.linear.gather [hbm4b:s6+s4], $0x80, $0x38;
	[tilespmem:$0x8100] =	vst v63  }
0xb: {  	_ =	swait.ge [sflag:s8], $0x80  }
0xc: {  	[sflag:s8] =	ssyncset.done $0x0  }
0xd: {  	s9 =	simm.s32 $0x100;
	s10 =	simm.s32 $0x8;
	[sflag:s8] =	ssyncadd.s32 $0xFFFFFF80  }
0xe: {  	[tilespmem:s9], [sflag:$0x1] =	stream.indirect.gather [hbm4b:s2+s7], $0x80, s4, s7, $0xb8;
	[tilespmem:$0x8100] =	vst v63  }
0xf: {  	_ =	swait.ge [sflag:s10], $0x80  }
0x10: {  	[sflag:s10] =	ssyncset.done $0x0  }
0x11: {  	s11 =	simm.s32 $0x40;
	s12 =	simm.s32 $0x4100;
	[sflag:s10] =	ssyncadd.s32 $0xFFFFFF80  }
0x12: {  	[tilespmem:s12], [sflag:$0x2] =	stream.indirect.gather [hbm4b:s3+s11], $0x80, s7, s11, $0xb8;
	[tilespmem:$0x8100] =	vst v63  }
0x13: {  	s13 =	simm.s32 $0xC0;
	s14 =	simm.s32 $0x6100;
	s15 =	simm.s32 $0x1  }
0x14: {  	[tilespmem:s14], [sflag:$0x3] =	stream.indirect.gather [hbm4b:s3+s11], $0x80, s13, s11, $0xb8;
	[tilespmem:$0x8100] =	vst v63  }
0x15: {  	s17 =	sshll.u32 s17, $0x4;
	_ =	swait.ge [sflag:s15], $0x4000  }
0x16: {  	s20 =	sadd.s32 s17, s16;
	[sflag:s15] =	ssyncset.done $0x0  }
0x17: {  	s17 =	simm.s32 $0x2;
	s16 =	sadd.s32 $0x54E00, s20;
	[sflag:s15] =	ssyncadd.s32 $0xFFFFC000  }
0x18: {  	[hbm4b:s16+s4] =	stream.linear.scatter [tilespmem:s9], [sflag:$0x4], $0x4000, $0x38;
	[tilespmem:$0x8100] =	vst v63  }
0x19: {  	_ =	swait.ge [sflag:s17], $0x2000  }
0x1a: {  	[sflag:s17] =	ssyncset.done $0x0  }
0x1b: {  	s19 =	simm.s32 $0x3;
	s18 =	sadd.s32 $0x64E00, s20;
	[sflag:s17] =	ssyncadd.s32 $0xFFFFE000  }
0x1c: {  	[hbm4b:s18+s4] =	stream.linear.scatter [tilespmem:s12], [sflag:$0x5], $0x2000, $0x38;
	[tilespmem:$0x8100] =	vst v63  }
0x1d: {  	_ =	swait.ge [sflag:s19], $0x2000  }
0x1e: {  	s21 =	simm.s32 $0x4;
	s23 =	ssub.s32 $0x2, s22;
	[sflag:s19] =	ssyncset.done $0x0  }
0x1f: {  	s24 =	sshrl.u32 s23, $0x1;
	s20 =	sadd.s32 $0x65200, s20;
	[sflag:s19] =	ssyncadd.s32 $0xFFFFE000  }
0x20: {  	[hbm4b:s20+s4] =	stream.linear.scatter [tilespmem:s14], [sflag:$0x6], $0x2000, $0x38;
	[tilespmem:$0x8100] =	vst v63  }
0x21: {  	s23 =	ssub.s32 s23, s24;
	_ =	swait.ge [sflag:s21], $0x4000  }
0x22: {  	s24 =	smax.u32 s23, $0x1;
	[sflag:s21] =	ssyncset.done $0x0  }
0x23: {  	s22 =	simm.s32 $0x5;
	p0 =	sne.s32 s24, $0x1;
	[sflag:s21] =	ssyncadd.s32 $0xFFFFC000  }
.Ltmp0:
0x24: {  	_ =	swait.ge [sflag:s22], $0x2000;
	(pc) =	sbr.rel @!p0 .LBB2_2-.Ltmp0, $4  }
0x25: {  	[sflag:s22] =	ssyncset.done $0x0  }
0x26: {  	s23 =	simm.s32 $0x6;
	[sflag:s22] =	ssyncadd.s32 $0xFFFFE000  }
0x27: {  	_ =	swait.ge [sflag:s23], $0x2000  }
0x28: {  	s24 =	sadd.s32 $0xFFFFFFFF, s24;
	[sflag:s23] =	ssyncset.done $0x0  }
.LBB2_1:
0x29: {  	p0 =	sne.s32 s24, $0x1;
	s24 =	sadd.s32 $0xFFFFFFFF, s24;
	[sflag:s23] =	ssyncadd.s32 $0xFFFFE000  }
0x2a: {  	[tilespmem:s4], [sflag:$0x7] =	stream.linear.gather [hbm4b:s5+s4], $0x80, $0x38;
	[tilespmem:$0x8100] =	vst v63  }
0x2b: {  	_ = 	snop  }
0x2c: {  	[tilespmem:s7], [sflag:$0x8] =	stream.linear.gather [hbm4b:s6+s4], $0x80, $0x38;
	[tilespmem:$0x8100] =	vst v63  }
0x2d: {  	_ =	swait.ge [sflag:s8], $0x80  }
0x2e: {  	[sflag:s8] =	ssyncset.done $0x0  }
0x2f: {  	[sflag:s8] =	ssyncadd.s32 $0xFFFFFF80  }
0x30: {  	[tilespmem:s9], [sflag:$0x1] =	stream.indirect.gather [hbm4b:s2+s7], $0x80, s4, s7, $0xb8;
	[tilespmem:$0x8100] =	vst v63  }
0x31: {  	_ =	swait.ge [sflag:s10], $0x80  }
0x32: {  	[sflag:s10] =	ssyncset.done $0x0  }
0x33: {  	[sflag:s10] =	ssyncadd.s32 $0xFFFFFF80  }
0x34: {  	[tilespmem:s12], [sflag:$0x2] =	stream.indirect.gather [hbm4b:s3+s11], $0x80, s7, s11, $0xb8;
	[tilespmem:$0x8100] =	vst v63  }
0x35: {  	_ = 	snop  }
0x36: {  	[tilespmem:s14], [sflag:$0x3] =	stream.indirect.gather [hbm4b:s3+s11], $0x80, s13, s11, $0xb8;
	[tilespmem:$0x8100] =	vst v63  }
0x37: {  	_ =	swait.ge [sflag:s15], $0x4000  }
0x38: {  	[sflag:s15] =	ssyncset.done $0x0  }
0x39: {  	[sflag:s15] =	ssyncadd.s32 $0xFFFFC000  }
0x3a: {  	[hbm4b:s16+s4] =	stream.linear.scatter [tilespmem:s9], [sflag:$0x4], $0x4000, $0x38;
	[tilespmem:$0x8100] =	vst v63  }
0x3b: {  	_ =	swait.ge [sflag:s17], $0x2000  }
0x3c: {  	[sflag:s17] =	ssyncset.done $0x0  }
0x3d: {  	[sflag:s17] =	ssyncadd.s32 $0xFFFFE000  }
0x3e: {  	[hbm4b:s18+s4] =	stream.linear.scatter [tilespmem:s12], [sflag:$0x5], $0x2000, $0x38;
	[tilespmem:$0x8100] =	vst v63  }
0x3f: {  	_ =	swait.ge [sflag:s19], $0x2000  }
0x40: {  	[sflag:s19] =	ssyncset.done $0x0  }
0x41: {  	[sflag:s19] =	ssyncadd.s32 $0xFFFFE000  }
0x42: {  	[hbm4b:s20+s4] =	stream.linear.scatter [tilespmem:s14], [sflag:$0x6], $0x2000, $0x38;
	[tilespmem:$0x8100] =	vst v63  }
0x43: {  	_ =	swait.ge [sflag:s21], $0x4000  }
0x44: {  	[sflag:s21] =	ssyncset.done $0x0  }
0x45: {  	[sflag:s21] =	ssyncadd.s32 $0xFFFFC000  }
.Ltmp1:
0x46: {  	_ =	swait.ge [sflag:s22], $0x2000;
	(pc) =	sbr.rel @p0 .LBB2_1-.Ltmp1, $4  }
0x47: {  	[sflag:s22] =	ssyncset.done $0x0  }
0x48: {  	[sflag:s22] =	ssyncadd.s32 $0xFFFFE000  }
0x49: {  	_ =	swait.ge [sflag:s23], $0x2000  }
0x4a: {  	[sflag:s23] =	ssyncset.done $0x0  }
.LBB2_2:
0x4b: {  	[sflag:s23] =	ssyncadd.s32 $0xFFFFE000  }
0x4c: {  	_ =	sfence.sel $0x180000  }
0x4d: {  	[bflag:$0x0] =	sbarrier.arrive $0xFFFF  }
0x4e: {  	p0 =	sne.s32 s0, $0x0;
	_ =	strace $0x90000050  }
0x4f: {  	s0 =	sadd.s32 @!p0 $0x100000, s1;
	[bflag:$0x2] =	sbarrier.arrive $0xFFFF  }
0x50: {  	[sflag:s0] =	ssyncadd.tile.s32 @!p0 $0x1;
	_ =	shalt  }
.Lfunc_end2:
_tile_overlayer_lowered:
.L_overlay_start_2:
0x51: {  	(tag) =	ssettag $0x2  }
0x52: {  	s0 =	rddreg [dreg:$0x0];
	s2 =	stileid.u32  }
0x53: {  	s1 =	rddreg [dreg:$0x1];
	p0 =	sne.s32 s2, $0x0  }
0x54: {  	s3 =	rddreg [dreg:$0x2];
	[bflag:$0x3] =	sbarrier.arrive $0xFFFF;
	s2 =	simm.s32 @!p0 $0x1C09  }
0x55: {  	[timem:s3], [sflag:s2] =	dma.local @!p0 [hbm:s0], s1  }
0x56: {  	s0 =	simm.s32 @!p0 $0x9  }
0x57: {  	_ =	swait.ge @!p0 [sflag:s0], s1  }
0x58: {  	s1 =	ssub.s32 @!p0 $0x0, s1;
	[sflag:s0] =	ssyncset.done @!p0 $0x0  }
0x59: {  	[sflag:s0] =	ssyncadd.s32 @!p0 s1  }
0x5a: {  	[bflag:$0x3] =	sbarrier.arrive $0xFFFF  }
0x5b: {  	_ =	shalt  }

</sc_bundles>
